<compile_context>
chip_gen: v7x
topology: tpu7x:2x2x1
jax: 0.10.2.dev20260603
libtpu: 0.0.44.dev20260713+nightly
codegen_flags: <defaults>
</compile_context>

<pallas_src>
import jax
import jax.numpy as jnp
from jax import lax
from jax.experimental import pallas as pl
from jax.experimental.pallas import tpu as pltpu
from jax.experimental.pallas import tpu_sc as plsc

_N = 10000
_E = 320000
_D = 128
_CH = 128
_NC = 2
_NS = 16
_NW = _NC * _NS
_NB = _E // _CH
_BPW = _NB // _NW
_EXTRA = _NB % _NW
_BMAX = _BPW + 1
_ZCH = 80
_NZ = _N // _ZCH
_NBUF = 3


def _sc_scatter(edge_index, edge_feat):
    mesh = plsc.VectorSubcoreMesh(core_axis_name="c", subcore_axis_name="s")

    def body(eidx_hbm, edge_hbm, out_hbm,
             ibuf0, ibuf1, ibuf2, ebuf0, ebuf1, ebuf2, agg_shared,
             gsem0, gsem1, gsem2, isem0, isem1, isem2,
             ssem0, ssem1, ssem2):
        cid = lax.axis_index("c")
        sid = lax.axis_index("s")
        wid = cid * _NS + sid
        eph = _EXTRA // _NC
        nblk = _BPW + jnp.where(sid < eph, 1, 0)
        blk0 = _BPW * wid + cid * eph + jnp.minimum(sid, eph)

        ibufs = (ibuf0, ibuf1, ibuf2)
        ebufs = (ebuf0, ebuf1, ebuf2)
        gsems = (gsem0, gsem1, gsem2)
        isems = (isem0, isem1, isem2)
        ssems = (ssem0, ssem1, ssem2)

        def start_gather(i, b):
            off = (blk0 + i) * _CH
            pltpu.async_copy(edge_hbm.at[pl.ds(off, _CH)], ebufs[b],
                             gsems[b])
            pltpu.async_copy(eidx_hbm.at[0, pl.ds(off, _CH)], ibufs[b],
                             isems[b])

        def wait_gather(b):
            pltpu.make_async_copy(
                edge_hbm.at[pl.ds(0, _CH)], ebufs[b], gsems[b]).wait()
            pltpu.make_async_copy(
                eidx_hbm.at[0, pl.ds(0, _CH)], ibufs[b], isems[b]).wait()

        def start_scatter(b):
            pltpu.async_copy(ebufs[b], agg_shared.at[ibufs[b]], ssems[b],
                             add=True)

        def wait_scatter(b):
            pltpu.make_async_copy(
                ebufs[b], agg_shared.at[ibufs[b]], ssems[b]).wait()

        for pb in (1, 2):
            start_gather(pb, pb)

        zv = jnp.zeros((16,), jnp.float32)

        def zrow(i, carry):
            def zcol(j, c2):
                ebuf0[i, pl.ds(j * 16, 16)] = zv
                return c2
            return lax.fori_loop(0, _D // 16, zcol, carry)

        lax.fori_loop(0, _ZCH, zrow, 0)

        def zchunk(k, carry):
            c = sid + k * _NS

            @pl.when(c < _NZ)
            def _():
                pltpu.sync_copy(ebuf0.at[pl.ds(0, _ZCH)],
                                agg_shared.at[pl.ds(c * _ZCH, _ZCH)])

            return carry

        lax.fori_loop(0, (_NZ + _NS - 1) // _NS, zchunk, 0)
        start_gather(0, 0)
        plsc.subcore_barrier()

        def group(g, carry):
            base = _NBUF * g
            for b in range(_NBUF):
                i = base + b

                @pl.when(i < nblk)
                def _(i=i, b=b):
                    wait_gather(b)
                    start_scatter(b)

            for b in range(_NBUF):
                i = base + b

                @pl.when(i < nblk)
                def _(i=i, b=b):
                    wait_scatter(b)

                    @pl.when(i + _NBUF < nblk)
                    def _():
                        start_gather(i + _NBUF, b)

            return carry

        lax.fori_loop(0, (_BMAX + _NBUF - 1) // _NBUF, group, 0)
        plsc.subcore_barrier()

        _DCH = 400
        _ND = _N // _DCH

        def dump(k, carry):
            c = sid + k * _NS

            @pl.when(c < _ND)
            def _():
                pltpu.sync_copy(agg_shared.at[pl.ds(c * _DCH, _DCH)],
                                out_hbm.at[cid, pl.ds(c * _DCH, _DCH)])

            return carry

        lax.fori_loop(0, (_ND + _NS - 1) // _NS, dump, 0)

    return pl.kernel(
        body,
        out_type=jax.ShapeDtypeStruct((_NC, _N, _D), jnp.float32),
        mesh=mesh,
        scratch_types=[
            pltpu.VMEM((_CH,), jnp.int32),
            pltpu.VMEM((_CH,), jnp.int32),
            pltpu.VMEM((_CH,), jnp.int32),
            pltpu.VMEM((_CH, _D), jnp.float32),
            pltpu.VMEM((_CH, _D), jnp.float32),
            pltpu.VMEM((_CH, _D), jnp.float32),
            pltpu.VMEM_SHARED((_N, _D), jnp.float32),
        ] + [pltpu.SemaphoreType.DMA] * 9,
    )(edge_index, edge_feat)


_BR = 2000


def _node_half(node_feat, W, b):
    def body(nf, wt, bb, o):
        o[...] = jnp.dot(nf[...], wt[0],
                         preferred_element_type=jnp.float32) + bb[...]

    w3 = W.reshape(2, _D, _D)
    b2 = b.reshape(1, _D)
    return pl.pallas_call(
        body,
        grid=(_N // _BR,),
        in_specs=[
            pl.BlockSpec((_BR, _D), lambda i: (i, 0)),
            pl.BlockSpec((1, _D, _D), lambda i: (0, 0, 0)),
            pl.BlockSpec((1, _D), lambda i: (0, 0)),
        ],
        out_specs=pl.BlockSpec((_BR, _D), lambda i: (i, 0)),
        out_shape=jax.ShapeDtypeStruct((_N, _D), jnp.float32),
    )(node_feat, w3, b2)


def _agg_half(tmp, partials, W):
    def body(tp, a0, a1, wb, o):
        agg = a0[0] + a1[0]
        o[...] = tp[...] + jnp.dot(agg, wb[0],
                                   preferred_element_type=jnp.float32)

    w3 = W.reshape(2, _D, _D)
    return pl.pallas_call(
        body,
        grid=(_N // _BR,),
        in_specs=[
            pl.BlockSpec((_BR, _D), lambda i: (i, 0)),
            pl.BlockSpec((1, _BR, _D), lambda i: (0, i, 0)),
            pl.BlockSpec((1, _BR, _D), lambda i: (1, i, 0)),
            pl.BlockSpec((1, _D, _D), lambda i: (1, 0, 0)),
        ],
        out_specs=pl.BlockSpec((_BR, _D), lambda i: (i, 0)),
        out_shape=jax.ShapeDtypeStruct((_N, _D), jnp.float32),
    )(tmp, partials, partials, w3)


def kernel(node_feat, edge_feat, edge_index, W, b):
    partials = _sc_scatter(edge_index, edge_feat)
    tmp = _node_half(node_feat, W, b)
    return _agg_half(tmp, partials, W)

# --- scband reference (transcript-rebuilt; emitter-appended) ---
"""Pipeline reference for scband-node-block-21509196219220 (READ-ONLY COPY).

The authoritative reference and input builder live on the scoring server;
editing this copy changes nothing except your own understanding.
"""

import jax, jax.numpy as jnp
import numpy as np

N_NODES = 10000
N_EDGES = 320000
D_FEAT = 128


def setup_inputs(seed: int = 0) -> dict:
    key = jax.random.key(seed)
    k1, k2, k3, k4 = jax.random.split(key, 4)
    node_feat = jax.random.normal(k1, (N_NODES, D_FEAT), dtype=jnp.float32)
    edge_feat = jax.random.normal(k2, (N_EDGES, D_FEAT), dtype=jnp.float32)
    edge_index = jax.random.randint(k3, (2, N_EDGES), 0, N_NODES, dtype=jnp.int32)
    # node_model = Linear(2*D_FEAT, D_FEAT) applied to concat(node_feat, aggregated_edges)
    kw, kb = jax.random.split(k4)
    W = (jax.random.normal(kw, (2 * D_FEAT, D_FEAT), dtype=jnp.float32) * (1.0 / np.sqrt(2 * D_FEAT)))
    b = jnp.zeros((D_FEAT,), dtype=jnp.float32)
    return {"node_feat": node_feat, "edge_feat": edge_feat, "edge_index": edge_index, "W": W, "b": b}


def reference(node_feat, edge_feat, edge_index, W, b):
    # _ReceivedEdgesToNodesAggregator with use_sent_edges=False:
    # indices = vstack(graph.edges())[int(False), :] -> row 0 of edge_index
    idx = edge_index[0]
    # unsorted_segment_sum(edge_feat, idx, num_segments=N) -> scatter-add
    num_segments = node_feat.shape[0]
    agg = jnp.zeros((num_segments, edge_feat.shape[1]), dtype=edge_feat.dtype).at[idx].add(edge_feat)
    # nodes_to_collect = cat((ndata, received_edges), dim=-1)
    collected = jnp.concatenate([node_feat, agg], axis=-1)
    # node_model (Linear) applied to collected features
    out = collected @ W + b
    return out

if __name__ == "__main__":
    import jax
    _d = setup_inputs()
    print(jax.jit(kernel)(*tuple(_d.values())))

</pallas_src>

<mosaic_0001>
#map = affine_map<(d0, d1) -> (0, 0)>
#map1 = affine_map<(d0, d1) -> (0, 0, 0)>
module attributes {stable_mosaic.version = 14 : i64} {
  func.func @body(%arg0: i32, %arg1: i32, %arg2: memref<2x320000xi32, #tpu.memory_space<hbm>>, %arg3: memref<320000x128xf32, #tpu.memory_space<hbm>>, %arg4: memref<2x10000x128xf32, #tpu.memory_space<hbm>>, %arg5: memref<128xi32, #tpu.memory_space<vmem>>, %arg6: memref<128xi32, #tpu.memory_space<vmem>>, %arg7: memref<128xi32, #tpu.memory_space<vmem>>, %arg8: memref<128x128xf32, #tpu.memory_space<vmem>>, %arg9: memref<128x128xf32, #tpu.memory_space<vmem>>, %arg10: memref<128x128xf32, #tpu.memory_space<vmem>>, %arg11: memref<10000x128xf32, #tpu.memory_space<vmem_shared>>, %arg12: memref<!tpu.dma_semaphore, #tpu.memory_space<semaphore_mem>>, %arg13: memref<!tpu.dma_semaphore, #tpu.memory_space<semaphore_mem>>, %arg14: memref<!tpu.dma_semaphore, #tpu.memory_space<semaphore_mem>>, %arg15: memref<!tpu.dma_semaphore, #tpu.memory_space<semaphore_mem>>, %arg16: memref<!tpu.dma_semaphore, #tpu.memory_space<semaphore_mem>>, %arg17: memref<!tpu.dma_semaphore, #tpu.memory_space<semaphore_mem>>, %arg18: memref<!tpu.dma_semaphore, #tpu.memory_space<semaphore_mem>>, %arg19: memref<!tpu.dma_semaphore, #tpu.memory_space<semaphore_mem>>, %arg20: memref<!tpu.dma_semaphore, #tpu.memory_space<semaphore_mem>>) attributes {dimension_semantics = [#tpu.dimension_semantics<core_parallel>, #tpu.dimension_semantics<subcore_parallel>], iteration_bounds = array<i64: 2, 16>, scalar_prefetch = 0 : i64, scratch_operands = 16 : i64, tpu.core_type = #tpu.core_type<sc_vector_subcore>, window_params = [{transform_indices = #map}, {transform_indices = #map}, {transform_indices = #map1}]} {
    %mul3A = arith.constant 16 : i32
    %mul3A_0 = arith.muli %arg0, %mul3A : i32
    %add3A = arith.addi %mul3A_0, %arg1 : i32
    %lt3A = arith.constant 2 : i32
    %lt3A_1 = arith.cmpi slt, %arg1, %lt3A : i32
    %jit3A = arith.constant 1 : i32
    %jit3A_2 = arith.constant 0 : i32
    %select_n3A = arith.select %lt3A_1, %jit3A, %jit3A_2 : i32
    %add3A_3 = arith.constant 78 : i32
    %add3A_4 = arith.addi %add3A_3, %select_n3A : i32
    %mul3A_5 = arith.constant 78 : i32
    %mul3A_6 = arith.muli %mul3A_5, %add3A : i32
    %mul3A_7 = arith.constant 2 : i32
    %mul3A_8 = arith.muli %arg0, %mul3A_7 : i32
    %add3A_9 = arith.addi %mul3A_6, %mul3A_8 : i32
    %min3A = arith.constant 2 : i32
    %min3A_10 = arith.minsi %arg1, %min3A : i32
    %add3A_11 = arith.addi %add3A_9, %min3A_10 : i32
    %add3A_12 = arith.constant 1 : i32
    %add3A_13 = arith.addi %add3A_11, %add3A_12 : i32
    %mul3A_14 = arith.constant 128 : i32
    %mul3A_15 = arith.muli %add3A_13, %mul3A_14 : i32
    %dma_start3A = arith.constant 0 : i32
    %dma_start3A_16 = tpu.memref_slice %arg3[%mul3A_15, %dma_start3A] : memref<320000x128xf32, #tpu.memory_space<hbm>> -> memref<128x128xf32, #tpu.memory_space<hbm>>
    %dma_start3A_17 = arith.constant 0 : i32
    %dma_start3A_18 = tpu.memref_slice %arg3[%mul3A_15, %dma_start3A_17] : memref<320000x128xf32, #tpu.memory_space<hbm>> -> memref<128x128xf32, #tpu.memory_space<hbm>>
    tpu.enqueue_dma source(%dma_start3A_18 : memref<128x128xf32, #tpu.memory_space<hbm>>) target(%arg9 : memref<128x128xf32, #tpu.memory_space<vmem>>) target_semaphore(%arg13 : memref<!tpu.dma_semaphore, #tpu.memory_space<semaphore_mem>>)
    %dma_start3A_19 = arith.constant 0 : i32
    %dma_start3A_20 = tpu.memref_slice %arg2[%dma_start3A_19, %mul3A_15] : memref<2x320000xi32, #tpu.memory_space<hbm>> -> memref<1x128xi32, #tpu.memory_space<hbm>>
    %dma_start3A_21 = tpu.memref_squeeze %dma_start3A_20 : memref<1x128xi32, #tpu.memory_space<hbm>> -> memref<128xi32, #tpu.memory_space<hbm>>
    %dma_start3A_22 = tpu.memref_slice %arg2[%dma_start3A_19, %mul3A_15] : memref<2x320000xi32, #tpu.memory_space<hbm>> -> memref<1x128xi32, #tpu.memory_space<hbm>>
    %dma_start3A_23 = tpu.memref_squeeze %dma_start3A_22 : memref<1x128xi32, #tpu.memory_space<hbm>> -> memref<128xi32, #tpu.memory_space<hbm>>
    tpu.enqueue_dma source(%dma_start3A_23 : memref<128xi32, #tpu.memory_space<hbm>>) target(%arg6 : memref<128xi32, #tpu.memory_space<vmem>>) target_semaphore(%arg16 : memref<!tpu.dma_semaphore, #tpu.memory_space<semaphore_mem>>)
    %add3A_24 = arith.constant 2 : i32
    %add3A_25 = arith.addi %add3A_11, %add3A_24 : i32
    %mul3A_26 = arith.constant 128 : i32
    %mul3A_27 = arith.muli %add3A_25, %mul3A_26 : i32
    %dma_start3A_28 = arith.constant 0 : i32
    %dma_start3A_29 = tpu.memref_slice %arg3[%mul3A_27, %dma_start3A_28] : memref<320000x128xf32, #tpu.memory_space<hbm>> -> memref<128x128xf32, #tpu.memory_space<hbm>>
    %dma_start3A_30 = arith.constant 0 : i32
    %dma_start3A_31 = tpu.memref_slice %arg3[%mul3A_27, %dma_start3A_30] : memref<320000x128xf32, #tpu.memory_space<hbm>> -> memref<128x128xf32, #tpu.memory_space<hbm>>
    tpu.enqueue_dma source(%dma_start3A_31 : memref<128x128xf32, #tpu.memory_space<hbm>>) target(%arg10 : memref<128x128xf32, #tpu.memory_space<vmem>>) target_semaphore(%arg14 : memref<!tpu.dma_semaphore, #tpu.memory_space<semaphore_mem>>)
    %dma_start3A_32 = arith.constant 0 : i32
    %dma_start3A_33 = tpu.memref_slice %arg2[%dma_start3A_32, %mul3A_27] : memref<2x320000xi32, #tpu.memory_space<hbm>> -> memref<1x128xi32, #tpu.memory_space<hbm>>
    %dma_start3A_34 = tpu.memref_squeeze %dma_start3A_33 : memref<1x128xi32, #tpu.memory_space<hbm>> -> memref<128xi32, #tpu.memory_space<hbm>>
    %dma_start3A_35 = tpu.memref_slice %arg2[%dma_start3A_32, %mul3A_27] : memref<2x320000xi32, #tpu.memory_space<hbm>> -> memref<1x128xi32, #tpu.memory_space<hbm>>
    %dma_start3A_36 = tpu.memref_squeeze %dma_start3A_35 : memref<1x128xi32, #tpu.memory_space<hbm>> -> memref<128xi32, #tpu.memory_space<hbm>>
    tpu.enqueue_dma source(%dma_start3A_36 : memref<128xi32, #tpu.memory_space<hbm>>) target(%arg7 : memref<128xi32, #tpu.memory_space<vmem>>) target_semaphore(%arg17 : memref<!tpu.dma_semaphore, #tpu.memory_space<semaphore_mem>>)
    %broadcast_in_dim3A = arith.constant 0.000000e+00 : f32
    %broadcast_in_dim3A_37 = vector.broadcast %broadcast_in_dim3A : f32 to vector<16xf32>
    %scan3A = arith.constant 0 : i32
    %scan3A_38 = arith.constant 0 : i32
    %scan3A_39 = arith.constant 80 : i32
    %scan3A_40 = arith.addi %scan3A_38, %scan3A_39 : i32
    %scan3A_41 = arith.constant 1 : i32
    scf.for %scan3A_75 = %scan3A_38 to %scan3A_40 step %scan3A_41  : i32 {
      %scan3A_76 = arith.constant 0 : i32
      %scan3A_77 = arith.constant 8 : i32
      %scan3A_78 = arith.addi %scan3A_76, %scan3A_77 : i32
      %scan3A_79 = arith.constant 1 : i32
      scf.for %scan3A_81 = %scan3A_76 to %scan3A_78 step %scan3A_79  : i32 {
        %mul3A_82 = arith.constant 16 : i32
        %mul3A_83 = arith.muli %scan3A_81, %mul3A_82 : i32
        %swap3A = arith.index_cast %scan3A_75 : i32 to index
        %swap3A_84 = arith.index_cast %mul3A_83 : i32 to index
        %swap3A_85 = tpu.vector_load %arg8[%swap3A, %swap3A_84] {strides = array<i32>} : memref<128x128xf32, #tpu.memory_space<vmem>>, vector<1x16xf32>,
        %swap3A_86 = vector.shape_cast %swap3A_85 : vector<1x16xf32> to vector<16xf32>
        %swap3A_87 = vector.shape_cast %broadcast_in_dim3A_37 : vector<16xf32> to vector<1x16xf32>
        tpu.vector_store %arg8[%swap3A, %swap3A_84], %swap3A_87 {strides = array<i32>} : memref<128x128xf32, #tpu.memory_space<vmem>>, vector<1x16xf32>,
      }
      %scan3A_80 = arith.constant 8 : i32
    }
    %scan3A_42 = arith.constant 80 : i32
    %scan3A_43 = arith.constant 0 : i32
    %scan3A_44 = arith.constant 0 : i32
    %scan3A_45 = arith.constant 8 : i32
    %scan3A_46 = arith.addi %scan3A_44, %scan3A_45 : i32
    %scan3A_47 = arith.constant 1 : i32
    scf.for %scan3A_75 = %scan3A_44 to %scan3A_46 step %scan3A_47  : i32 {
      %mul3A_76 = arith.constant 16 : i32
      %mul3A_77 = arith.muli %scan3A_75, %mul3A_76 : i32
      %add3A_78 = arith.addi %arg1, %mul3A_77 : i32
      %lt3A_79 = arith.constant 125 : i32
      %lt3A_80 = arith.cmpi slt, %add3A_78, %lt3A_79 : i32
      %convert_element_type3A = arith.extui %lt3A_80 : i1 to i32
      %cond3A = arith.constant 0 : i32
      %cond3A_81 = arith.cmpi ne, %convert_element_type3A, %cond3A : i32
      scf.if %cond3A_81 {
        %mul3A_82 = arith.constant 80 : i32
        %mul3A_83 = arith.muli %add3A_78, %mul3A_82 : i32
        "tpu.region"() ({
          %run_scoped3A = tpu.sem_alloc : memref<!tpu.dma_semaphore, #tpu.memory_space<semaphore_mem>>
          %dma_start3A_84 = arith.constant 0 : i32
          %dma_start3A_85 = arith.constant 0 : i32
          %dma_start3A_86 = tpu.memref_slice %arg8[%dma_start3A_84, %dma_start3A_85] : memref<128x128xf32, #tpu.memory_space<vmem>> -> memref<80x128xf32, #tpu.memory_space<vmem>>
          %dma_start3A_87 = arith.constant 0 : i32
          %dma_start3A_88 = tpu.memref_slice %arg11[%mul3A_83, %dma_start3A_87] : memref<10000x128xf32, #tpu.memory_space<vmem_shared>> -> memref<80x128xf32, #tpu.memory_space<vmem_shared>>
          %dma_start3A_89 = arith.constant 0 : i32
          %dma_start3A_90 = tpu.memref_slice %arg11[%mul3A_83, %dma_start3A_89] : memref<10000x128xf32, #tpu.memory_space<vmem_shared>> -> memref<80x128xf32, #tpu.memory_space<vmem_shared>>
          %dma_start3A_91 = arith.constant 0 : i32
          %dma_start3A_92 = arith.constant 0 : i32
          %dma_start3A_93 = tpu.memref_slice %arg8[%dma_start3A_91, %dma_start3A_92] : memref<128x128xf32, #tpu.memory_space<vmem>> -> memref<80x128xf32, #tpu.memory_space<vmem>>
          tpu.enqueue_dma source(%dma_start3A_93 : memref<80x128xf32, #tpu.memory_space<vmem>>) target(%dma_start3A_90 : memref<80x128xf32, #tpu.memory_space<vmem_shared>>) target_semaphore(%run_scoped3A : memref<!tpu.dma_semaphore, #tpu.memory_space<semaphore_mem>>)
          %dma_wait3A = arith.constant 0 : i32
          %dma_wait3A_94 = arith.constant 0 : i32
          %dma_wait3A_95 = tpu.memref_slice %arg8[%dma_wait3A, %dma_wait3A_94] : memref<128x128xf32, #tpu.memory_space<vmem>> -> memref<80x128xf32, #tpu.memory_space<vmem>>
          %dma_wait3A_96 = arith.constant 0 : i32
          %dma_wait3A_97 = tpu.memref_slice %arg11[%mul3A_83, %dma_wait3A_96] : memref<10000x128xf32, #tpu.memory_space<vmem_shared>> -> memref<80x128xf32, #tpu.memory_space<vmem_shared>>
          %dma_wait3A_98 = arith.constant 0 : i32
          %dma_wait3A_99 = tpu.memref_slice %arg11[%mul3A_83, %dma_wait3A_98] : memref<10000x128xf32, #tpu.memory_space<vmem_shared>> -> memref<80x128xf32, #tpu.memory_space<vmem_shared>>
          %dma_wait3A_100 = arith.constant 0 : i32
          %dma_wait3A_101 = arith.constant 0 : i32
          %dma_wait3A_102 = tpu.memref_slice %arg8[%dma_wait3A_100, %dma_wait3A_101] : memref<128x128xf32, #tpu.memory_space<vmem>> -> memref<80x128xf32, #tpu.memory_space<vmem>>
          tpu.wait_dma2 semaphore(%run_scoped3A : memref<!tpu.dma_semaphore, #tpu.memory_space<semaphore_mem>>) src(%dma_wait3A_102 : memref<80x128xf32, #tpu.memory_space<vmem>>) dst(%dma_wait3A_99 : memref<80x128xf32, #tpu.memory_space<vmem_shared>>)
          tpu.yield
        }) : () -> ()
      } else {
      }
    }
    %scan3A_48 = arith.constant 8 : i32
    %add3A_49 = arith.constant 0 : i32
    %add3A_50 = arith.addi %add3A_11, %add3A_49 : i32
    %mul3A_51 = arith.constant 128 : i32
    %mul3A_52 = arith.muli %add3A_50, %mul3A_51 : i32
    %dma_start3A_53 = arith.constant 0 : i32
    %dma_start3A_54 = tpu.memref_slice %arg3[%mul3A_52, %dma_start3A_53] : memref<320000x128xf32, #tpu.memory_space<hbm>> -> memref<128x128xf32, #tpu.memory_space<hbm>>
    %dma_start3A_55 = arith.constant 0 : i32
    %dma_start3A_56 = tpu.memref_slice %arg3[%mul3A_52, %dma_start3A_55] : memref<320000x128xf32, #tpu.memory_space<hbm>> -> memref<128x128xf32, #tpu.memory_space<hbm>>
    tpu.enqueue_dma source(%dma_start3A_56 : memref<128x128xf32, #tpu.memory_space<hbm>>) target(%arg8 : memref<128x128xf32, #tpu.memory_space<vmem>>) target_semaphore(%arg12 : memref<!tpu.dma_semaphore, #tpu.memory_space<semaphore_mem>>)
    %dma_start3A_57 = arith.constant 0 : i32
    %dma_start3A_58 = tpu.memref_slice %arg2[%dma_start3A_57, %mul3A_52] : memref<2x320000xi32, #tpu.memory_space<hbm>> -> memref<1x128xi32, #tpu.memory_space<hbm>>
    %dma_start3A_59 = tpu.memref_squeeze %dma_start3A_58 : memref<1x128xi32, #tpu.memory_space<hbm>> -> memref<128xi32, #tpu.memory_space<hbm>>
    %dma_start3A_60 = tpu.memref_slice %arg2[%dma_start3A_57, %mul3A_52] : memref<2x320000xi32, #tpu.memory_space<hbm>> -> memref<1x128xi32, #tpu.memory_space<hbm>>
    %dma_start3A_61 = tpu.memref_squeeze %dma_start3A_60 : memref<1x128xi32, #tpu.memory_space<hbm>> -> memref<128xi32, #tpu.memory_space<hbm>>
    tpu.enqueue_dma source(%dma_start3A_61 : memref<128xi32, #tpu.memory_space<hbm>>) target(%arg5 : memref<128xi32, #tpu.memory_space<vmem>>) target_semaphore(%arg15 : memref<!tpu.dma_semaphore, #tpu.memory_space<semaphore_mem>>)
    %barrier3A = arith.constant 0 : index
    tpu.barrier barrier_id(%barrier3A)
    %scan3A_62 = arith.constant 0 : i32
    %scan3A_63 = arith.constant 0 : i32
    %scan3A_64 = arith.constant 27 : i32
    %scan3A_65 = arith.addi %scan3A_63, %scan3A_64 : i32
    %scan3A_66 = arith.constant 1 : i32
    scf.for %scan3A_75 = %scan3A_63 to %scan3A_65 step %scan3A_66  : i32 {
      %mul3A_76 = arith.constant 3 : i32
      %mul3A_77 = arith.muli %mul3A_76, %scan3A_75 : i32
      %add3A_78 = arith.constant 0 : i32
      %add3A_79 = arith.addi %mul3A_77, %add3A_78 : i32
      %lt3A_80 = arith.cmpi slt, %add3A_79, %add3A_4 : i32
      %convert_element_type3A = arith.extui %lt3A_80 : i1 to i32
      %cond3A = arith.constant 0 : i32
      %cond3A_81 = arith.cmpi ne, %convert_element_type3A, %cond3A : i32
      scf.if %cond3A_81 {
        %dma_wait3A = arith.constant 0 : i32
        %dma_wait3A_112 = arith.constant 0 : i32
        %dma_wait3A_113 = tpu.memref_slice %arg3[%dma_wait3A, %dma_wait3A_112] : memref<320000x128xf32, #tpu.memory_space<hbm>> -> memref<128x128xf32, #tpu.memory_space<hbm>>
        %dma_wait3A_114 = arith.constant 0 : i32
        %dma_wait3A_115 = arith.constant 0 : i32
        %dma_wait3A_116 = tpu.memref_slice %arg3[%dma_wait3A_114, %dma_wait3A_115] : memref<320000x128xf32, #tpu.memory_space<hbm>> -> memref<128x128xf32, #tpu.memory_space<hbm>>
        tpu.wait_dma2 semaphore(%arg12 : memref<!tpu.dma_semaphore, #tpu.memory_space<semaphore_mem>>) src(%dma_wait3A_116 : memref<128x128xf32, #tpu.memory_space<hbm>>) dst(%arg8 : memref<128x128xf32, #tpu.memory_space<vmem>>)
        %dma_wait3A_117 = arith.constant 0 : i32
        %dma_wait3A_118 = arith.constant 0 : i32
        %dma_wait3A_119 = tpu.memref_slice %arg2[%dma_wait3A_117, %dma_wait3A_118] : memref<2x320000xi32, #tpu.memory_space<hbm>> -> memref<1x128xi32, #tpu.memory_space<hbm>>
        %dma_wait3A_120 = tpu.memref_squeeze %dma_wait3A_119 : memref<1x128xi32, #tpu.memory_space<hbm>> -> memref<128xi32, #tpu.memory_space<hbm>>
        %dma_wait3A_121 = arith.constant 0 : i32
        %dma_wait3A_122 = tpu.memref_slice %arg2[%dma_wait3A_117, %dma_wait3A_121] : memref<2x320000xi32, #tpu.memory_space<hbm>> -> memref<1x128xi32, #tpu.memory_space<hbm>>
        %dma_wait3A_123 = tpu.memref_squeeze %dma_wait3A_122 : memref<1x128xi32, #tpu.memory_space<hbm>> -> memref<128xi32, #tpu.memory_space<hbm>>
        tpu.wait_dma2 semaphore(%arg15 : memref<!tpu.dma_semaphore, #tpu.memory_space<semaphore_mem>>) src(%dma_wait3A_123 : memref<128xi32, #tpu.memory_space<hbm>>) dst(%arg5 : memref<128xi32, #tpu.memory_space<vmem>>)
        %dma_start3A_124 = arith.constant 0 : i32
        %dma_start3A_125 = arith.constant 0 : i32
        %dma_start3A_126 = tpu.memref_slice %arg11[%dma_start3A_124, %dma_start3A_125] : memref<10000x128xf32, #tpu.memory_space<vmem_shared>> -> memref<10000x128xf32, #tpu.memory_space<vmem_shared>>
        tpu.enqueue_indirect_dma source(%arg8 : memref<128x128xf32, #tpu.memory_space<vmem>>) target(%dma_start3A_126 : memref<10000x128xf32, #tpu.memory_space<vmem_shared>>) offsets(%arg5 : memref<128xi32, #tpu.memory_space<vmem>>) semaphore(%arg18 : memref<!tpu.dma_semaphore, #tpu.memory_space<semaphore_mem>>) {add = true}
      } else {
      }
      %add3A_82 = arith.constant 1 : i32
      %add3A_83 = arith.addi %mul3A_77, %add3A_82 : i32
      %lt3A_84 = arith.cmpi slt, %add3A_83, %add3A_4 : i32
      %convert_element_type3A_85 = arith.extui %lt3A_84 : i1 to i32
      %cond3A_86 = arith.constant 0 : i32
      %cond3A_87 = arith.cmpi ne, %convert_element_type3A_85, %cond3A_86 : i32
      scf.if %cond3A_87 {
        %dma_wait3A = arith.constant 0 : i32
        %dma_wait3A_112 = arith.constant 0 : i32
        %dma_wait3A_113 = tpu.memref_slice %arg3[%dma_wait3A, %dma_wait3A_112] : memref<320000x128xf32, #tpu.memory_space<hbm>> -> memref<128x128xf32, #tpu.memory_space<hbm>>
        %dma_wait3A_114 = arith.constant 0 : i32
        %dma_wait3A_115 = arith.constant 0 : i32
        %dma_wait3A_116 = tpu.memref_slice %arg3[%dma_wait3A_114, %dma_wait3A_115] : memref<320000x128xf32, #tpu.memory_space<hbm>> -> memref<128x128xf32, #tpu.memory_space<hbm>>
        tpu.wait_dma2 semaphore(%arg13 : memref<!tpu.dma_semaphore, #tpu.memory_space<semaphore_mem>>) src(%dma_wait3A_116 : memref<128x128xf32, #tpu.memory_space<hbm>>) dst(%arg9 : memref<128x128xf32, #tpu.memory_space<vmem>>)
        %dma_wait3A_117 = arith.constant 0 : i32
        %dma_wait3A_118 = arith.constant 0 : i32
        %dma_wait3A_119 = tpu.memref_slice %arg2[%dma_wait3A_117, %dma_wait3A_118] : memref<2x320000xi32, #tpu.memory_space<hbm>> -> memref<1x128xi32, #tpu.memory_space<hbm>>
        %dma_wait3A_120 = tpu.memref_squeeze %dma_wait3A_119 : memref<1x128xi32, #tpu.memory_space<hbm>> -> memref<128xi32, #tpu.memory_space<hbm>>
        %dma_wait3A_121 = arith.constant 0 : i32
        %dma_wait3A_122 = tpu.memref_slice %arg2[%dma_wait3A_117, %dma_wait3A_121] : memref<2x320000xi32, #tpu.memory_space<hbm>> -> memref<1x128xi32, #tpu.memory_space<hbm>>
        %dma_wait3A_123 = tpu.memref_squeeze %dma_wait3A_122 : memref<1x128xi32, #tpu.memory_space<hbm>> -> memref<128xi32, #tpu.memory_space<hbm>>
        tpu.wait_dma2 semaphore(%arg16 : memref<!tpu.dma_semaphore, #tpu.memory_space<semaphore_mem>>) src(%dma_wait3A_123 : memref<128xi32, #tpu.memory_space<hbm>>) dst(%arg6 : memref<128xi32, #tpu.memory_space<vmem>>)
        %dma_start3A_124 = arith.constant 0 : i32
        %dma_start3A_125 = arith.constant 0 : i32
        %dma_start3A_126 = tpu.memref_slice %arg11[%dma_start3A_124, %dma_start3A_125] : memref<10000x128xf32, #tpu.memory_space<vmem_shared>> -> memref<10000x128xf32, #tpu.memory_space<vmem_shared>>
        tpu.enqueue_indirect_dma source(%arg9 : memref<128x128xf32, #tpu.memory_space<vmem>>) target(%dma_start3A_126 : memref<10000x128xf32, #tpu.memory_space<vmem_shared>>) offsets(%arg6 : memref<128xi32, #tpu.memory_space<vmem>>) semaphore(%arg19 : memref<!tpu.dma_semaphore, #tpu.memory_space<semaphore_mem>>) {add = true}
      } else {
      }
      %add3A_88 = arith.constant 2 : i32
      %add3A_89 = arith.addi %mul3A_77, %add3A_88 : i32
      %lt3A_90 = arith.cmpi slt, %add3A_89, %add3A_4 : i32
      %convert_element_type3A_91 = arith.extui %lt3A_90 : i1 to i32
      %cond3A_92 = arith.constant 0 : i32
      %cond3A_93 = arith.cmpi ne, %convert_element_type3A_91, %cond3A_92 : i32
      scf.if %cond3A_93 {
        %dma_wait3A = arith.constant 0 : i32
        %dma_wait3A_112 = arith.constant 0 : i32
        %dma_wait3A_113 = tpu.memref_slice %arg3[%dma_wait3A, %dma_wait3A_112] : memref<320000x128xf32, #tpu.memory_space<hbm>> -> memref<128x128xf32, #tpu.memory_space<hbm>>
        %dma_wait3A_114 = arith.constant 0 : i32
        %dma_wait3A_115 = arith.constant 0 : i32
        %dma_wait3A_116 = tpu.memref_slice %arg3[%dma_wait3A_114, %dma_wait3A_115] : memref<320000x128xf32, #tpu.memory_space<hbm>> -> memref<128x128xf32, #tpu.memory_space<hbm>>
        tpu.wait_dma2 semaphore(%arg14 : memref<!tpu.dma_semaphore, #tpu.memory_space<semaphore_mem>>) src(%dma_wait3A_116 : memref<128x128xf32, #tpu.memory_space<hbm>>) dst(%arg10 : memref<128x128xf32, #tpu.memory_space<vmem>>)
        %dma_wait3A_117 = arith.constant 0 : i32
        %dma_wait3A_118 = arith.constant 0 : i32
        %dma_wait3A_119 = tpu.memref_slice %arg2[%dma_wait3A_117, %dma_wait3A_118] : memref<2x320000xi32, #tpu.memory_space<hbm>> -> memref<1x128xi32, #tpu.memory_space<hbm>>
        %dma_wait3A_120 = tpu.memref_squeeze %dma_wait3A_119 : memref<1x128xi32, #tpu.memory_space<hbm>> -> memref<128xi32, #tpu.memory_space<hbm>>
        %dma_wait3A_121 = arith.constant 0 : i32
        %dma_wait3A_122 = tpu.memref_slice %arg2[%dma_wait3A_117, %dma_wait3A_121] : memref<2x320000xi32, #tpu.memory_space<hbm>> -> memref<1x128xi32, #tpu.memory_space<hbm>>
        %dma_wait3A_123 = tpu.memref_squeeze %dma_wait3A_122 : memref<1x128xi32, #tpu.memory_space<hbm>> -> memref<128xi32, #tpu.memory_space<hbm>>
        tpu.wait_dma2 semaphore(%arg17 : memref<!tpu.dma_semaphore, #tpu.memory_space<semaphore_mem>>) src(%dma_wait3A_123 : memref<128xi32, #tpu.memory_space<hbm>>) dst(%arg7 : memref<128xi32, #tpu.memory_space<vmem>>)
        %dma_start3A_124 = arith.constant 0 : i32
        %dma_start3A_125 = arith.constant 0 : i32
        %dma_start3A_126 = tpu.memref_slice %arg11[%dma_start3A_124, %dma_start3A_125] : memref<10000x128xf32, #tpu.memory_space<vmem_shared>> -> memref<10000x128xf32, #tpu.memory_space<vmem_shared>>
        tpu.enqueue_indirect_dma source(%arg10 : memref<128x128xf32, #tpu.memory_space<vmem>>) target(%dma_start3A_126 : memref<10000x128xf32, #tpu.memory_space<vmem_shared>>) offsets(%arg7 : memref<128xi32, #tpu.memory_space<vmem>>) semaphore(%arg20 : memref<!tpu.dma_semaphore, #tpu.memory_space<semaphore_mem>>) {add = true}
      } else {
      }
      %add3A_94 = arith.constant 0 : i32
      %add3A_95 = arith.addi %mul3A_77, %add3A_94 : i32
      %lt3A_96 = arith.cmpi slt, %add3A_95, %add3A_4 : i32
      %convert_element_type3A_97 = arith.extui %lt3A_96 : i1 to i32
      %cond3A_98 = arith.constant 0 : i32
      %cond3A_99 = arith.cmpi ne, %convert_element_type3A_97, %cond3A_98 : i32
      scf.if %cond3A_99 {
        %dma_wait3A = arith.constant 0 : i32
        %dma_wait3A_112 = arith.constant 0 : i32
        %dma_wait3A_113 = tpu.memref_slice %arg11[%dma_wait3A, %dma_wait3A_112] : memref<10000x128xf32, #tpu.memory_space<vmem_shared>> -> memref<10000x128xf32, #tpu.memory_space<vmem_shared>>
        tpu.wait_indirect_dma semaphore(%arg18 : memref<!tpu.dma_semaphore, #tpu.memory_space<semaphore_mem>>) src(%arg8 : memref<128x128xf32, #tpu.memory_space<vmem>>) dst(%dma_wait3A_113 : memref<10000x128xf32, #tpu.memory_space<vmem_shared>>)
        %add3A_114 = arith.constant 3 : i32
        %add3A_115 = arith.addi %add3A_95, %add3A_114 : i32
        %lt3A_116 = arith.cmpi slt, %add3A_115, %add3A_4 : i32
        %convert_element_type3A_117 = arith.extui %lt3A_116 : i1 to i32
        %cond3A_118 = arith.constant 0 : i32
        %cond3A_119 = arith.cmpi ne, %convert_element_type3A_117, %cond3A_118 : i32
        scf.if %cond3A_119 {
          %add3A_120 = arith.constant 3 : i32
          %add3A_121 = arith.addi %add3A_95, %add3A_120 : i32
          %add3A_122 = arith.addi %add3A_11, %add3A_121 : i32
          %mul3A_123 = arith.constant 128 : i32
          %mul3A_124 = arith.muli %add3A_122, %mul3A_123 : i32
          %dma_start3A_125 = arith.constant 0 : i32
          %dma_start3A_126 = tpu.memref_slice %arg3[%mul3A_124, %dma_start3A_125] : memref<320000x128xf32, #tpu.memory_space<hbm>> -> memref<128x128xf32, #tpu.memory_space<hbm>>
          %dma_start3A_127 = arith.constant 0 : i32
          %dma_start3A_128 = tpu.memref_slice %arg3[%mul3A_124, %dma_start3A_127] : memref<320000x128xf32, #tpu.memory_space<hbm>> -> memref<128x128xf32, #tpu.memory_space<hbm>>
          tpu.enqueue_dma source(%dma_start3A_128 : memref<128x128xf32, #tpu.memory_space<hbm>>) target(%arg8 : memref<128x128xf32, #tpu.memory_space<vmem>>) target_semaphore(%arg12 : memref<!tpu.dma_semaphore, #tpu.memory_space<semaphore_mem>>)
          %dma_start3A_129 = arith.constant 0 : i32
          %dma_start3A_130 = tpu.memref_slice %arg2[%dma_start3A_129, %mul3A_124] : memref<2x320000xi32, #tpu.memory_space<hbm>> -> memref<1x128xi32, #tpu.memory_space<hbm>>
          %dma_start3A_131 = tpu.memref_squeeze %dma_start3A_130 : memref<1x128xi32, #tpu.memory_space<hbm>> -> memref<128xi32, #tpu.memory_space<hbm>>
          %dma_start3A_132 = tpu.memref_slice %arg2[%dma_start3A_129, %mul3A_124] : memref<2x320000xi32, #tpu.memory_space<hbm>> -> memref<1x128xi32, #tpu.memory_space<hbm>>
          %dma_start3A_133 = tpu.memref_squeeze %dma_start3A_132 : memref<1x128xi32, #tpu.memory_space<hbm>> -> memref<128xi32, #tpu.memory_space<hbm>>
          tpu.enqueue_dma source(%dma_start3A_133 : memref<128xi32, #tpu.memory_space<hbm>>) target(%arg5 : memref<128xi32, #tpu.memory_space<vmem>>) target_semaphore(%arg15 : memref<!tpu.dma_semaphore, #tpu.memory_space<semaphore_mem>>)
        } else {
        }
      } else {
      }
      %add3A_100 = arith.constant 1 : i32
      %add3A_101 = arith.addi %mul3A_77, %add3A_100 : i32
      %lt3A_102 = arith.cmpi slt, %add3A_101, %add3A_4 : i32
      %convert_element_type3A_103 = arith.extui %lt3A_102 : i1 to i32
      %cond3A_104 = arith.constant 0 : i32
      %cond3A_105 = arith.cmpi ne, %convert_element_type3A_103, %cond3A_104 : i32
      scf.if %cond3A_105 {
        %dma_wait3A = arith.constant 0 : i32
        %dma_wait3A_112 = arith.constant 0 : i32
        %dma_wait3A_113 = tpu.memref_slice %arg11[%dma_wait3A, %dma_wait3A_112] : memref<10000x128xf32, #tpu.memory_space<vmem_shared>> -> memref<10000x128xf32, #tpu.memory_space<vmem_shared>>
        tpu.wait_indirect_dma semaphore(%arg19 : memref<!tpu.dma_semaphore, #tpu.memory_space<semaphore_mem>>) src(%arg9 : memref<128x128xf32, #tpu.memory_space<vmem>>) dst(%dma_wait3A_113 : memref<10000x128xf32, #tpu.memory_space<vmem_shared>>)
        %add3A_114 = arith.constant 3 : i32
        %add3A_115 = arith.addi %add3A_101, %add3A_114 : i32
        %lt3A_116 = arith.cmpi slt, %add3A_115, %add3A_4 : i32
        %convert_element_type3A_117 = arith.extui %lt3A_116 : i1 to i32
        %cond3A_118 = arith.constant 0 : i32
        %cond3A_119 = arith.cmpi ne, %convert_element_type3A_117, %cond3A_118 : i32
        scf.if %cond3A_119 {
          %add3A_120 = arith.constant 3 : i32
          %add3A_121 = arith.addi %add3A_101, %add3A_120 : i32
          %add3A_122 = arith.addi %add3A_11, %add3A_121 : i32
          %mul3A_123 = arith.constant 128 : i32
          %mul3A_124 = arith.muli %add3A_122, %mul3A_123 : i32
          %dma_start3A_125 = arith.constant 0 : i32
          %dma_start3A_126 = tpu.memref_slice %arg3[%mul3A_124, %dma_start3A_125] : memref<320000x128xf32, #tpu.memory_space<hbm>> -> memref<128x128xf32, #tpu.memory_space<hbm>>
          %dma_start3A_127 = arith.constant 0 : i32
          %dma_start3A_128 = tpu.memref_slice %arg3[%mul3A_124, %dma_start3A_127] : memref<320000x128xf32, #tpu.memory_space<hbm>> -> memref<128x128xf32, #tpu.memory_space<hbm>>
          tpu.enqueue_dma source(%dma_start3A_128 : memref<128x128xf32, #tpu.memory_space<hbm>>) target(%arg9 : memref<128x128xf32, #tpu.memory_space<vmem>>) target_semaphore(%arg13 : memref<!tpu.dma_semaphore, #tpu.memory_space<semaphore_mem>>)
          %dma_start3A_129 = arith.constant 0 : i32
          %dma_start3A_130 = tpu.memref_slice %arg2[%dma_start3A_129, %mul3A_124] : memref<2x320000xi32, #tpu.memory_space<hbm>> -> memref<1x128xi32, #tpu.memory_space<hbm>>
          %dma_start3A_131 = tpu.memref_squeeze %dma_start3A_130 : memref<1x128xi32, #tpu.memory_space<hbm>> -> memref<128xi32, #tpu.memory_space<hbm>>
          %dma_start3A_132 = tpu.memref_slice %arg2[%dma_start3A_129, %mul3A_124] : memref<2x320000xi32, #tpu.memory_space<hbm>> -> memref<1x128xi32, #tpu.memory_space<hbm>>
          %dma_start3A_133 = tpu.memref_squeeze %dma_start3A_132 : memref<1x128xi32, #tpu.memory_space<hbm>> -> memref<128xi32, #tpu.memory_space<hbm>>
          tpu.enqueue_dma source(%dma_start3A_133 : memref<128xi32, #tpu.memory_space<hbm>>) target(%arg6 : memref<128xi32, #tpu.memory_space<vmem>>) target_semaphore(%arg16 : memref<!tpu.dma_semaphore, #tpu.memory_space<semaphore_mem>>)
        } else {
        }
      } else {
      }
      %add3A_106 = arith.constant 2 : i32
      %add3A_107 = arith.addi %mul3A_77, %add3A_106 : i32
      %lt3A_108 = arith.cmpi slt, %add3A_107, %add3A_4 : i32
      %convert_element_type3A_109 = arith.extui %lt3A_108 : i1 to i32
      %cond3A_110 = arith.constant 0 : i32
      %cond3A_111 = arith.cmpi ne, %convert_element_type3A_109, %cond3A_110 : i32
      scf.if %cond3A_111 {
        %dma_wait3A = arith.constant 0 : i32
        %dma_wait3A_112 = arith.constant 0 : i32
        %dma_wait3A_113 = tpu.memref_slice %arg11[%dma_wait3A, %dma_wait3A_112] : memref<10000x128xf32, #tpu.memory_space<vmem_shared>> -> memref<10000x128xf32, #tpu.memory_space<vmem_shared>>
        tpu.wait_indirect_dma semaphore(%arg20 : memref<!tpu.dma_semaphore, #tpu.memory_space<semaphore_mem>>) src(%arg10 : memref<128x128xf32, #tpu.memory_space<vmem>>) dst(%dma_wait3A_113 : memref<10000x128xf32, #tpu.memory_space<vmem_shared>>)
        %add3A_114 = arith.constant 3 : i32
        %add3A_115 = arith.addi %add3A_107, %add3A_114 : i32
        %lt3A_116 = arith.cmpi slt, %add3A_115, %add3A_4 : i32
        %convert_element_type3A_117 = arith.extui %lt3A_116 : i1 to i32
        %cond3A_118 = arith.constant 0 : i32
        %cond3A_119 = arith.cmpi ne, %convert_element_type3A_117, %cond3A_118 : i32
        scf.if %cond3A_119 {
          %add3A_120 = arith.constant 3 : i32
          %add3A_121 = arith.addi %add3A_107, %add3A_120 : i32
          %add3A_122 = arith.addi %add3A_11, %add3A_121 : i32
          %mul3A_123 = arith.constant 128 : i32
          %mul3A_124 = arith.muli %add3A_122, %mul3A_123 : i32
          %dma_start3A_125 = arith.constant 0 : i32
          %dma_start3A_126 = tpu.memref_slice %arg3[%mul3A_124, %dma_start3A_125] : memref<320000x128xf32, #tpu.memory_space<hbm>> -> memref<128x128xf32, #tpu.memory_space<hbm>>
          %dma_start3A_127 = arith.constant 0 : i32
          %dma_start3A_128 = tpu.memref_slice %arg3[%mul3A_124, %dma_start3A_127] : memref<320000x128xf32, #tpu.memory_space<hbm>> -> memref<128x128xf32, #tpu.memory_space<hbm>>
          tpu.enqueue_dma source(%dma_start3A_128 : memref<128x128xf32, #tpu.memory_space<hbm>>) target(%arg10 : memref<128x128xf32, #tpu.memory_space<vmem>>) target_semaphore(%arg14 : memref<!tpu.dma_semaphore, #tpu.memory_space<semaphore_mem>>)
          %dma_start3A_129 = arith.constant 0 : i32
          %dma_start3A_130 = tpu.memref_slice %arg2[%dma_start3A_129, %mul3A_124] : memref<2x320000xi32, #tpu.memory_space<hbm>> -> memref<1x128xi32, #tpu.memory_space<hbm>>
          %dma_start3A_131 = tpu.memref_squeeze %dma_start3A_130 : memref<1x128xi32, #tpu.memory_space<hbm>> -> memref<128xi32, #tpu.memory_space<hbm>>
          %dma_start3A_132 = tpu.memref_slice %arg2[%dma_start3A_129, %mul3A_124] : memref<2x320000xi32, #tpu.memory_space<hbm>> -> memref<1x128xi32, #tpu.memory_space<hbm>>
          %dma_start3A_133 = tpu.memref_squeeze %dma_start3A_132 : memref<1x128xi32, #tpu.memory_space<hbm>> -> memref<128xi32, #tpu.memory_space<hbm>>
          tpu.enqueue_dma source(%dma_start3A_133 : memref<128xi32, #tpu.memory_space<hbm>>) target(%arg7 : memref<128xi32, #tpu.memory_space<vmem>>) target_semaphore(%arg17 : memref<!tpu.dma_semaphore, #tpu.memory_space<semaphore_mem>>)
        } else {
        }
      } else {
      }
    }
    %scan3A_67 = arith.constant 27 : i32
    %barrier3A_68 = arith.constant 0 : index
    tpu.barrier barrier_id(%barrier3A_68)
    %scan3A_69 = arith.constant 0 : i32
    %scan3A_70 = arith.constant 0 : i32
    %scan3A_71 = arith.constant 2 : i32
    %scan3A_72 = arith.addi %scan3A_70, %scan3A_71 : i32
    %scan3A_73 = arith.constant 1 : i32
    scf.for %scan3A_75 = %scan3A_70 to %scan3A_72 step %scan3A_73  : i32 {
      %mul3A_76 = arith.constant 16 : i32
      %mul3A_77 = arith.muli %scan3A_75, %mul3A_76 : i32
      %add3A_78 = arith.addi %arg1, %mul3A_77 : i32
      %lt3A_79 = arith.constant 25 : i32
      %lt3A_80 = arith.cmpi slt, %add3A_78, %lt3A_79 : i32
      %convert_element_type3A = arith.extui %lt3A_80 : i1 to i32
      %cond3A = arith.constant 0 : i32
      %cond3A_81 = arith.cmpi ne, %convert_element_type3A, %cond3A : i32
      scf.if %cond3A_81 {
        %mul3A_82 = arith.constant 400 : i32
        %mul3A_83 = arith.muli %add3A_78, %mul3A_82 : i32
        %mul3A_84 = arith.constant 400 : i32
        %mul3A_85 = arith.muli %add3A_78, %mul3A_84 : i32
        "tpu.region"() ({
          %run_scoped3A = tpu.sem_alloc : memref<!tpu.dma_semaphore, #tpu.memory_space<semaphore_mem>>
          %dma_start3A_86 = arith.constant 0 : i32
          %dma_start3A_87 = tpu.memref_slice %arg4[%arg0, %mul3A_85, %dma_start3A_86] : memref<2x10000x128xf32, #tpu.memory_space<hbm>> -> memref<1x400x128xf32, #tpu.memory_space<hbm>>
          %dma_start3A_88 = tpu.memref_squeeze %dma_start3A_87 : memref<1x400x128xf32, #tpu.memory_space<hbm>> -> memref<400x128xf32, #tpu.memory_space<hbm>>
          %dma_start3A_89 = arith.constant 0 : i32
          %dma_start3A_90 = tpu.memref_slice %arg11[%mul3A_83, %dma_start3A_89] : memref<10000x128xf32, #tpu.memory_space<vmem_shared>> -> memref<400x128xf32, #tpu.memory_space<vmem_shared>>
          tpu.enqueue_dma source(%dma_start3A_90 : memref<400x128xf32, #tpu.memory_space<vmem_shared>>) target(%dma_start3A_88 : memref<400x128xf32, #tpu.memory_space<hbm>>) target_semaphore(%run_scoped3A : memref<!tpu.dma_semaphore, #tpu.memory_space<semaphore_mem>>)
          %dma_wait3A = arith.constant 0 : i32
          %dma_wait3A_91 = tpu.memref_slice %arg4[%arg0, %mul3A_85, %dma_wait3A] : memref<2x10000x128xf32, #tpu.memory_space<hbm>> -> memref<1x400x128xf32, #tpu.memory_space<hbm>>
          %dma_wait3A_92 = tpu.memref_squeeze %dma_wait3A_91 : memref<1x400x128xf32, #tpu.memory_space<hbm>> -> memref<400x128xf32, #tpu.memory_space<hbm>>
          %dma_wait3A_93 = arith.constant 0 : i32
          %dma_wait3A_94 = tpu.memref_slice %arg11[%mul3A_83, %dma_wait3A_93] : memref<10000x128xf32, #tpu.memory_space<vmem_shared>> -> memref<400x128xf32, #tpu.memory_space<vmem_shared>>
          tpu.wait_dma2 semaphore(%run_scoped3A : memref<!tpu.dma_semaphore, #tpu.memory_space<semaphore_mem>>) src(%dma_wait3A_94 : memref<400x128xf32, #tpu.memory_space<vmem_shared>>) dst(%dma_wait3A_92 : memref<400x128xf32, #tpu.memory_space<hbm>>)
          tpu.yield
        }) : () -> ()
      } else {
      }
    }
    %scan3A_74 = arith.constant 2 : i32
    return
  }
}

module attributes {stable_mosaic.version = 14 : i64} {
  func.func @body(%arg0: i32, %arg1: memref<2000x128xf32, #tpu.memory_space<vmem>>, %arg2: memref<1x2000x128xf32, #tpu.memory_space<vmem>>, %arg3: memref<1x2000x128xf32, #tpu.memory_space<vmem>>, %arg4: memref<1x128x128xf32, #tpu.memory_space<vmem>>, %arg5: memref<2000x128xf32, #tpu.memory_space<vmem>>) attributes {dimension_semantics = [#tpu.dimension_semantics<arbitrary>], iteration_bounds = array<i64: 5>, scalar_prefetch = 0 : i64, scratch_operands = 0 : i64, tpu.core_type = #tpu.core_type<tc>, window_params = [{transform_indices = @transform_0, window_bounds = array<i64: 2000, 128>}, {transform_indices = @transform_1, window_bounds = array<i64: 1, 2000, 128>}, {transform_indices = @transform_2, window_bounds = array<i64: 1, 2000, 128>}, {transform_indices = @transform_3, window_bounds = array<i64: 1, 128, 128>}, {transform_indices = @transform_4, window_bounds = array<i64: 2000, 128>}]} {
    %get3A = arith.constant 0 : index
    %get3A_0 = arith.constant 0 : index
    %get3A_1 = arith.constant 0 : index
    %get3A_2 = vector.load %arg2[%get3A, %get3A_0, %get3A_1] : memref<1x2000x128xf32, #tpu.memory_space<vmem>>, vector<1x2000x128xf32>
    %get3A_3 = vector.shape_cast %get3A_2 : vector<1x2000x128xf32> to vector<2000x128xf32>
    %get3A_4 = arith.constant 0 : index
    %get3A_5 = arith.constant 0 : index
    %get3A_6 = arith.constant 0 : index
    %get3A_7 = vector.load %arg3[%get3A_4, %get3A_5, %get3A_6] : memref<1x2000x128xf32, #tpu.memory_space<vmem>>, vector<1x2000x128xf32>
    %get3A_8 = vector.shape_cast %get3A_7 : vector<1x2000x128xf32> to vector<2000x128xf32>
    %add3A = arith.addf %get3A_3, %get3A_8 : vector<2000x128xf32>
    %get3A_9 = arith.constant 0 : index
    %get3A_10 = arith.constant 0 : index
    %get3A_11 = vector.load %arg1[%get3A_9, %get3A_10] : memref<2000x128xf32, #tpu.memory_space<vmem>>, vector<2000x128xf32>
    %get3A_12 = arith.constant 0 : index
    %get3A_13 = arith.constant 0 : index
    %get3A_14 = arith.constant 0 : index
    %get3A_15 = vector.load %arg4[%get3A_12, %get3A_13, %get3A_14] : memref<1x128x128xf32, #tpu.memory_space<vmem>>, vector<1x128x128xf32>
    %get3A_16 = vector.shape_cast %get3A_15 : vector<1x128x128xf32> to vector<128x128xf32>
    %dot_general3A = arith.constant dense<0.000000e+00> : vector<2000x128xf32>
    %dot_general3A_17 = tpu.matmul %add3A, %get3A_16, %dot_general3A {dimension_numbers = #tpu.dot_dimension_numbers<[1], [0], [0], [1], [0, 0, 1, 1], [], []>, transpose_lhs_hint = false} : vector<2000x128xf32>, vector<128x128xf32>, vector<2000x128xf32> -> vector<2000x128xf32>
    %add3A_18 = arith.addf %get3A_11, %dot_general3A_17 : vector<2000x128xf32>
    %swap3A = arith.constant 0 : index
    %swap3A_19 = arith.constant 0 : index
    %swap3A_20 = vector.load %arg5[%swap3A, %swap3A_19] : memref<2000x128xf32, #tpu.memory_space<vmem>>, vector<2000x128xf32>
    tpu.vector_store %arg5[%swap3A, %swap3A_19], %add3A_18 {strides = array<i32>} : memref<2000x128xf32, #tpu.memory_space<vmem>>, vector<2000x128xf32>,
    return
  }
  func.func @transform_0(%arg0: i32) -> (i32, i32) {
    %c0_i32 = arith.constant 0 : i32
    %c0_i32_0 = arith.constant 0 : i32
    return %arg0, %c0_i32 : i32, i32
  }
  func.func @transform_1(%arg0: i32) -> (i32, i32, i32) {
    %c0_i32 = arith.constant 0 : i32
    %c0_i32_0 = arith.constant 0 : i32
    %c0_i32_1 = arith.constant 0 : i32
    return %c0_i32, %arg0, %c0_i32_0 : i32, i32, i32
  }
  func.func @transform_2(%arg0: i32) -> (i32, i32, i32) {
    %c1_i32 = arith.constant 1 : i32
    %c0_i32 = arith.constant 0 : i32
    %c0_i32_0 = arith.constant 0 : i32
    return %c1_i32, %arg0, %c0_i32 : i32, i32, i32
  }
  func.func @transform_3(%arg0: i32) -> (i32, i32, i32) {
    %c1_i32 = arith.constant 1 : i32
    %c0_i32 = arith.constant 0 : i32
    %c0_i32_0 = arith.constant 0 : i32
    %c0_i32_1 = arith.constant 0 : i32
    return %c1_i32, %c0_i32, %c0_i32_0 : i32, i32, i32
  }
  func.func @transform_4(%arg0: i32) -> (i32, i32) {
    %c0_i32 = arith.constant 0 : i32
    %c0_i32_0 = arith.constant 0 : i32
    return %arg0, %c0_i32 : i32, i32
  }
}

module attributes {stable_mosaic.version = 14 : i64} {
  func.func @body(%arg0: i32, %arg1: memref<2000x128xf32, #tpu.memory_space<vmem>>, %arg2: memref<1x128x128xf32, #tpu.memory_space<vmem>>, %arg3: memref<1x128xf32, #tpu.memory_space<vmem>>, %arg4: memref<2000x128xf32, #tpu.memory_space<vmem>>) attributes {dimension_semantics = [#tpu.dimension_semantics<arbitrary>], iteration_bounds = array<i64: 5>, scalar_prefetch = 0 : i64, scratch_operands = 0 : i64, tpu.core_type = #tpu.core_type<tc>, window_params = [{transform_indices = @transform_0, window_bounds = array<i64: 2000, 128>}, {transform_indices = @transform_1, window_bounds = array<i64: 1, 128, 128>}, {pipeline_mode = #tpu.pipeline_mode<synchronous>, transform_indices = @transform_2, window_bounds = array<i64: 1, 128>}, {transform_indices = @transform_3, window_bounds = array<i64: 2000, 128>}]} {
    %get3A = arith.constant 0 : index
    %get3A_0 = arith.constant 0 : index
    %get3A_1 = vector.load %arg1[%get3A, %get3A_0] : memref<2000x128xf32, #tpu.memory_space<vmem>>, vector<2000x128xf32>
    %get3A_2 = arith.constant 0 : index
    %get3A_3 = arith.constant 0 : index
    %get3A_4 = arith.constant 0 : index
    %get3A_5 = vector.load %arg2[%get3A_2, %get3A_3, %get3A_4] : memref<1x128x128xf32, #tpu.memory_space<vmem>>, vector<1x128x128xf32>
    %get3A_6 = vector.shape_cast %get3A_5 : vector<1x128x128xf32> to vector<128x128xf32>
    %dot_general3A = arith.constant dense<0.000000e+00> : vector<2000x128xf32>
    %dot_general3A_7 = tpu.matmul %get3A_1, %get3A_6, %dot_general3A {dimension_numbers = #tpu.dot_dimension_numbers<[1], [0], [0], [1], [0, 0, 1, 1], [], []>, transpose_lhs_hint = false} : vector<2000x128xf32>, vector<128x128xf32>, vector<2000x128xf32> -> vector<2000x128xf32>
    %get3A_8 = arith.constant 0 : index
    %get3A_9 = arith.constant 0 : index
    %get3A_10 = vector.load %arg3[%get3A_8, %get3A_9] : memref<1x128xf32, #tpu.memory_space<vmem>>, vector<1x128xf32>
    %add3A = vector.broadcast %get3A_10 : vector<1x128xf32> to vector<2000x128xf32>
    %add3A_11 = arith.addf %dot_general3A_7, %add3A : vector<2000x128xf32>
    %swap3A = arith.constant 0 : index
    %swap3A_12 = arith.constant 0 : index
    %swap3A_13 = vector.load %arg4[%swap3A, %swap3A_12] : memref<2000x128xf32, #tpu.memory_space<vmem>>, vector<2000x128xf32>
    tpu.vector_store %arg4[%swap3A, %swap3A_12], %add3A_11 {strides = array<i32>} : memref<2000x128xf32, #tpu.memory_space<vmem>>, vector<2000x128xf32>,
    return
  }
  func.func @transform_0(%arg0: i32) -> (i32, i32) {
    %c0_i32 = arith.constant 0 : i32
    %c0_i32_0 = arith.constant 0 : i32
    return %arg0, %c0_i32 : i32, i32
  }
  func.func @transform_1(%arg0: i32) -> (i32, i32, i32) {
    %c0_i32 = arith.constant 0 : i32
    %c0_i32_0 = arith.constant 0 : i32
    %c0_i32_1 = arith.constant 0 : i32
    %c0_i32_2 = arith.constant 0 : i32
    return %c0_i32, %c0_i32_0, %c0_i32_1 : i32, i32, i32
  }
  func.func @transform_2(%arg0: i32) -> (i32, i32) {
    %c0_i32 = arith.constant 0 : i32
    %c0_i32_0 = arith.constant 0 : i32
    %c0_i32_1 = arith.constant 0 : i32
    return %c0_i32, %c0_i32_0 : i32, i32
  }
  func.func @transform_3(%arg0: i32) -> (i32, i32) {
    %c0_i32 = arith.constant 0 : i32
    %c0_i32_0 = arith.constant 0 : i32
    return %arg0, %c0_i32 : i32, i32
  }
}

</mosaic_0001>

<sc_bundles>
// kernel: kernel.5.cloned.1.call-start
scs
__scs_entry_jumppad:
0x0: {  	(pc) =	sbr.rel $0x88, $3  }
0x1: {  	(tag) =	ssettag $0x0;
	lr =	simm.s32 $0x1  }
0x2: {  	[smem:$0x3F9C] =	sst lr;
	_ =	strace $0xD0000000  }
0x3: {  	_ = 	snop  }
0x4: {  	_ = 	snop  }
0x5: {  	_ = 	snop  }
0x6: {  	_ = 	snop  }
0x7: {  	_ = 	snop  }
__scs_overlays_trampoline_lowered:
0x8: {  	[smem:$0x3FAB] =	sst s0  }
0x9: {  	[smem:$0x3FAC] =	sst s1  }
0xa: {  	[smem:$0x3FAD] =	sst s2  }
0xb: {  	[smem:$0x3FAE] =	sst s3  }
0xc: {  	[smem:$0x3FAF] =	sst s4  }
0xd: {  	[smem:$0x3FB0] =	sst s5  }
0xe: {  	[smem:$0x3FB1] =	sst s6  }
0xf: {  	[smem:$0x3FB2] =	sst s7  }
0x10: {  	[smem:$0x3FB3] =	sst s8  }
0x11: {  	[smem:$0x3FB4] =	sst s9;
	s0 =	simm.s32 @!p0 $0x0  }
0x12: {  	s1 =	sld [smem:$0x3F9A];
	s0 =	simm.s32 @p0 $0x1  }
0x13: {  	[smem:$0x3FB5] =	sst s0;
	s0 =	simm.s32 @!p1 $0x0  }
0x14: {  	s2 =	sld [smem:$0x3F99];
	s0 =	simm.s32 @p1 $0x1  }
0x15: {  	[smem:$0x3FB6] =	sst s0;
	s0 =	simm.s32 @!p2 $0x0  }
0x16: {  	s3 =	sld [smem:$0x3FDB];
	s0 =	simm.s32 @p2 $0x1  }
0x17: {  	s4 =	simm.s32 $0x1BF5;
	[smem:$0x3FB8] =	sst s0  }
0x18: {  	s0 =	sld [smem:$0x3F9B];
	_ =	swait.ge [sflag:s4], $0x0  }
0x19: {  	s7 =	sld [smem:$0x3F9C]  }
0x1a: {  	s8 =	sadd.s32 $0xFFFFE003, lr  }
0x1b: {  	s9 =	sadd.s32 $0xFFFFFEF7, lr;
	s5 =	simm.s32 $0xFFFFFFFF;
	p2 =	slt.u32 s8, $0xFFFFF086  }
0x1c: {  	p1 =	slt.u32 s9, $0xF7A;
	s5 =	simm.s32 @!p2 $0x0  }
0x1d: {  	s5 =	simm.s32 @p1 $0x1;
	p0 =	seq.s32 s7, s2  }
0x1e: {  	s7 =	smul.u32 @!p0 $0xF7A, s2;
	p2 =	seq.s32 @!p0 s5, $0x0  }
0x1f: {  	s9 =	smul.u32 $0xF7A, s1;
	s8 =	simm.s32 @!p0 $0x1BF5;
	p2 =	por !p2, p0  }
0x20: {  	[sflag:s8] =	ssyncset.s32 @!p0 $0xFFFFF086;
	s6 =	sadd.s32 @!p0 s3, s7;
	s7 =	simm.s32 @!p0 $0x108  }
0x21: {  	s3 =	sadd.s32 s3, s9;
	s6 =	sadd.s32 @!p0 $0x88, s6;
	s7 =	simm.s32 @p2 $0x1082  }
0x22: {  	[simem:s7], [sflag:s8] =	dma.local @!p0 [hbm:s6], $0xF7A  }
0x23: {  	s9 =	sor.u32 $0xD0000000, s2;
	s6 =	simm.s32 $0x108;
	_ =	swait.ge @!p0 [sflag:s8], $0x0  }
0x24: {  	s3 =	sadd.s32 $0x88, s3;
	s6 =	simm.s32 @!p1 $0x1082;
	[sflag:s4] =	ssyncset.s32 $0xFFFFF086  }
0x25: {  	[simem:s6], [sflag:s4] =	dma.local [hbm:s3], $0xF7A  }
0x26: {  	[smem:$0x3F9C] =	sst s1;
	(tag) =	ssettag s2;
	_ =	strace s9  }
0x27: {  	s1 =	sld [smem:$0x3FAC]  }
0x28: {  	s2 =	sld [smem:$0x3FAD]  }
0x29: {  	s4 =	sld [smem:$0x3FAF]  }
0x2a: {  	p0 =	seq.s32 s5, $0x0;
	s5 =	sld [smem:$0x3FB0]  }
0x2b: {  	s6 =	sld [smem:$0x3FB1]  }
0x2c: {  	s7 =	sld [smem:$0x3FB2]  }
0x2d: {  	s3 =	simm.s32 $0x108;
	s8 =	sld [smem:$0x3FB3]  }
0x2e: {  	s3 =	simm.s32 @!p0 $0x1082;
	s9 =	sld [smem:$0x3FB4]  }
0x2f: {  	lr =	sadd.s32 s0, s3;
	s0 =	sld [smem:$0x3FAB]  }
0x30: {  	s3 =	sld [smem:$0x3FAE]  }
0x31: {  	[smem:$0x3FB7] =	sst s10  }
0x32: {  	s10 =	sld [smem:$0x3FB5];
	_ =	sdelay $0x3  }
0x33: {  	p0 =	seq.s32 s10, $0x1;
	s10 =	sld [smem:$0x3FB7];
	_ =	sdelay $0x3  }
0x34: {  	[smem:$0x3FB7] =	sst s10  }
0x35: {  	s10 =	sld [smem:$0x3FB6];
	_ =	sdelay $0x3  }
0x36: {  	p1 =	seq.s32 s10, $0x1;
	s10 =	sld [smem:$0x3FB7];
	_ =	sdelay $0x3  }
0x37: {  	[smem:$0x3FB7] =	sst s10  }
0x38: {  	s10 =	sld [smem:$0x3FB8]  }
0x39: {  	_ = 	snop;
	(pc) =	sbr.ind lr, $3  }
0x3a: {  	_ = 	snop  }
0x3b: {  	_ = 	snop  }
0x3c: {  	p2 =	seq.s32 s10, $0x1;
	s10 =	sld [smem:$0x3FB7]  }
0x3d: {  	_ =	shalt  }
0x3e: {  	_ =	shalt  }
0x3f: {  	_ =	shalt  }
0x40: {  	_ =	shalt  }
0x41: {  	_ =	shalt  }
0x42: {  	_ =	shalt  }
0x43: {  	_ =	shalt  }
0x44: {  	_ =	shalt  }
0x45: {  	_ =	shalt  }
0x46: {  	_ =	shalt  }
0x47: {  	_ =	shalt  }
0x48: {  	_ =	shalt  }
0x49: {  	_ =	shalt  }
0x4a: {  	_ =	shalt  }
0x4b: {  	_ =	shalt  }
0x4c: {  	_ =	shalt  }
0x4d: {  	_ =	shalt  }
0x4e: {  	_ =	shalt  }
0x4f: {  	_ =	shalt  }
0x50: {  	_ =	shalt  }
0x51: {  	_ =	shalt  }
0x52: {  	_ =	shalt  }
0x53: {  	_ =	shalt  }
0x54: {  	_ =	shalt  }
0x55: {  	_ =	shalt  }
0x56: {  	_ =	shalt  }
0x57: {  	_ =	shalt  }
0x58: {  	_ =	shalt  }
0x59: {  	_ =	shalt  }
0x5a: {  	_ =	shalt  }
0x5b: {  	_ =	shalt  }
0x5c: {  	_ =	shalt  }
0x5d: {  	_ =	shalt  }
0x5e: {  	_ =	shalt  }
0x5f: {  	_ =	shalt  }
0x60: {  	_ =	shalt  }
0x61: {  	_ =	shalt  }
0x62: {  	_ =	shalt  }
0x63: {  	_ =	shalt  }
0x64: {  	_ =	shalt  }
0x65: {  	_ =	shalt  }
0x66: {  	_ =	shalt  }
0x67: {  	_ =	shalt  }
0x68: {  	_ =	shalt  }
0x69: {  	_ =	shalt  }
0x6a: {  	_ =	shalt  }
0x6b: {  	_ =	shalt  }
0x6c: {  	_ =	shalt  }
0x6d: {  	_ =	shalt  }
0x6e: {  	_ =	shalt  }
0x6f: {  	_ =	shalt  }
0x70: {  	_ =	shalt  }
0x71: {  	_ =	shalt  }
0x72: {  	_ =	shalt  }
0x73: {  	_ =	shalt  }
0x74: {  	_ =	shalt  }
0x75: {  	_ =	shalt  }
0x76: {  	_ =	shalt  }
0x77: {  	_ =	shalt  }
0x78: {  	_ =	shalt  }
0x79: {  	_ =	shalt  }
0x7a: {  	_ =	shalt  }
0x7b: {  	_ =	shalt  }
0x7c: {  	_ =	shalt  }
0x7d: {  	_ =	shalt  }
0x7e: {  	_ =	shalt  }
0x7f: {  	_ =	shalt  }
0x80: {  	_ =	shalt  }
0x81: {  	_ =	shalt  }
0x82: {  	_ =	shalt  }
0x83: {  	_ =	shalt  }
0x84: {  	_ =	shalt  }
0x85: {  	_ =	shalt  }
0x86: {  	_ =	shalt  }
0x87: {  	_ =	shalt  }
.Lfunc_end0:
.L_simem_size_0:
called_computation_lowered:
.L_overlay_start_0:
0x88: {  	s2 =	sld [smem:$0x3FD9]  }
0x89: {  	s3 =	sld [smem:$0x3FFE];
	_ =	sdelay $0x1  }
0x8a: {  	s1 =	srdreg.scid  }
0x8b: {  	s0 =	sand.u32 $0x1, s1  }
0x8c: {  	s17 =	sshll.u32 s0, $0xA;
	s2 =	sadd.s32 s3, s2  }
0x8d: {  	s2 =	sadd.s32 s2, s17  }
0x8e: {  	[smem:$0x3FC3] =	sst s2  }
0x8f: {  	_ = 	snop  }
0x90: {  	s2 =	sld [smem:$0x3FC8]  }
0x91: {  	s18 =	sld [smem:$0x3FC7];
	(tm) =	ssettm $0x1  }
0x92: {  	s4 =	sld [smem:$0x3FFB];
	_ =	sdelay $0x3  }
0x93: {  	_ =	strace s4  }
0x94: {  	s4 =	sld [smem:$0x3FFC];
	_ =	sdelay $0x3  }
0x95: {  	_ =	strace s4  }
0x96: {  	s4 =	sld [smem:$0x3FFD];
	_ =	sdelay $0x3  }
0x97: {  	_ =	strace s4  }
0x98: {  	_ =	strace $0x8FFFFFFF  }
0x99: {  	s19 =	sld [smem:$0x3FDB];
	_ =	sdelay $0x1  }
0x9a: {  	s5 =	simm.s32 $_scs_section_size  }
0x9b: {  	s6 =	simm.s32 $_size__tile_overlayer_lowered;
	s7 =	simm.s32 $_tile_overlayer_lowered  }
0x9c: {  	s22 =	simm.s32 $0x1BFF;
	s21 =	sshll.u32 s7, $0x1;
	s4 =	sadd.s32 s5, s19  }
0x9d: {  	s8 =	simm.s32 $0x0;
	s20 =	sshll.u32 s6, $0x1;
	s6 =	sadd.s32 s21, s4  }
0x9e: {  	[timem:s8], [sflag:s22] =	dma.local [hbm:s6], s20  }
0x9f: {  	_ =	swait.ge [sflag:s22], s20  }
0xa0: {  	s5 =	ssub.s32 $0x0, s20;
	[sflag:s22] =	ssyncset.done $0x0  }
0xa1: {  	[sflag:s22] =	ssyncadd.s32 s5;
	_ =	sdelay $0x1  }
0xa2: {  	s23 =	simm.s32 $0x1B8B  }
0xa3: {  	_ =	swait.ge [sflag:s23], $0x1  }
0xa4: {  	[sflag:s23] =	ssyncset.done $0x0  }
0xa5: {  	s25 =	simm.s32 $0x1B8E;
	s24 =	sld [smem:$0x3FFE];
	[sflag:s23] =	ssyncadd.s32 $0xFFFFFFFF  }
0xa6: {  	s26 =	simm.s32 $execute0_lowered;
	[smem:$0x3FD2] =	sst s25  }
0xa7: {  	s6 =	sshll.u32 s26, $0x1;
	_ =	strace $0x80000046;
	[dreg:$0x1] =	wrdreg $0xFFFFFFFF  }
0xa8: {  	s28 =	simm.s32 $_size_execute0_lowered;
	s4 =	sadd.s32 s4, s6;
	[dreg:$0x0] =	wrdreg $0x0  }
0xa9: {  	s6 =	sshll.u32 s28, $0x1;
	[dreg:$0x2] =	wrdreg s4  }
0xaa: {  	[dreg:$0x3] =	wrdreg s6  }
0xab: {  	[dreg:$0x4] =	wrdreg $0xC0  }
0xac: {  	_ =	task [dreg:s8], $0x5FFFF  }
0xad: {  	[dreg:$0x1] =	wrdreg $0xFFFFFFFF  }
0xae: {  	[dreg:$0x0] =	wrdreg $0x60  }
0xaf: {  	[dreg:$0x2] =	wrdreg s18  }
0xb0: {  	[dreg:$0x3] =	wrdreg s2  }
0xb1: {  	[dreg:$0x4] =	wrdreg s24  }
0xb2: {  	[dreg:$0x5] =	wrdreg $0xC1800  }
0xb3: {  	[dreg:$0x6] =	wrdreg $0x9  }
0xb4: {  	_ =	task.clear_ibuf [dreg:s8], $0x7FFFF;
	_ =	strace $0x90000046  }
0xb5: {  	s29 =	simm.s32 $0x9;
	_ =	strace $0x80000048  }
0xb6: {  	_ =	swait.ge [sflag:s29], $0x1  }
0xb7: {  	[sflag:s29] =	ssyncadd.s32 $0xFFFFFFFF  }
0xb8: {  	_ =	strace $0x90000048  }
0xb9: {  	_ =	sfence  }
0xba: {  	s30 =	sld [smem:$0x0];
	_ =	sdelay $0x2  }
0xbb: {  	s31 =	sshll.u32 s1, $0xD;
	s1 =	sshrl.u32 s1, $0x2  }
0xbc: {  	s3 =	sand.u32 $0x4000, s31;
	s1 =	sadd.s32 s1, s30  }
0xbd: {  	s0 =	sor.u32 s3, s0;
	s1 =	sshll.u32 s1, $0x11  }
0xbe: {  	s0 =	sor.u32 s1, s0  }
0xbf: {  	s0 =	sadd.s32 $0x8F2B, s0  }
0xc0: {  	[sflag:s0] =	ssyncadd.remote.s32 $0x1  }
0xc1: {  	_ =	sfence.sel $0xFFFF  }
0xc2: {  	[dreg:$0x0] =	wrdreg $0xFFFFFFFF;
	(pc) =	sbr.abs _section_cstart, $3  }
0xc3: {  	[dreg:$0x1] =	wrdreg $0xFFFFFFFF  }
0xc4: {  	_ =	task.clear_ibuf [dreg:s8], $0x2FFFF;
	_ =	strace $0x9FFFFFFF  }
0xc5: {  	(tm) =	ssettm $0x7FFFFFFF  }
tec
execute0_lowered:
.L_overlay_start_1:
0x0: {  	(tag) =	ssettag $0x1  }
0x1: {  	s0 =	rddreg [dreg:$0x0]  }
0x2: {  	s1 =	rddreg [dreg:$0x1];
	s2 =	srdreg.scid  }
0x3: {  	s4 =	rddreg [dreg:$0x2];
	s16 =	stileid.u32;
	s3 =	simm.s32 $0x0  }
0x4: {  	s31 =	simm.s32 $0x180;
	s5 =	sand.u32 $0x1, s2;
	s19 =	smul.u32 $0xA000, s16  }
0x5: {  	s2 =	rddreg [dreg:$0x3];
	s8 =	smin.u32 s16, $0x2;
	s23 =	smul.u32 $0xC800, s16  }
0x6: {  	[smem:$0x7FF] =	sst s3;
	p0 =	slt.u32 s16, $0x2;
	s28 =	smul.u32 $0x32000, s16  }
0x7: {  	s29 =	smul.u32 $0x4E, s16;
	s6 =	sshll.u32 s5, $0x4;
	s7 =	sshll.u32 s5, $0x1  }
0x8: {  	s9 =	ssub.s32 $0x2, s5;
	_ =	strace $0x80000047;
	s18 =	smul.u32 $0x138800, s5  }
0x9: {  	s5 =	smul.u32 $0x4E2, s5;
	s6 =	sor.u32 s16, s6;
	s7 =	sadd.s32 s7, s8  }
0xa: {  	s10 =	sshrl.u32 s9, $0x1;
	s22 =	sshrl.u32 s19, $0x2;
	s6 =	smul.u32 $0x4E, s6  }
0xb: {  	s9 =	ssub.s32 s9, s10;
	s26 =	sadd.s32 s18, s23;
	s5 =	sadd.s32 s29, s5  }
0xc: {  	s9 =	smax.u32 s9, $0x1;
	s5 =	sadd.s32 s8, s5;
	s6 =	sadd.s32 s6, s7  }
0xd: {  	s7 =	sadd.s32 $0xC00, s4;
	s4 =	simm.s32 $0x4F;
	[dreg:$0xd] =	wrdreg s9  }
0xe: {  	s8 =	sshll.u32 s5, $0x5;
	s5 =	sshll.u32 s5, $0xB;
	s30 =	sshll.u32 s6, $0x7  }
0xf: {  	s4 =	simm.s32 @!p0 $0x4E;
	s14 =	sshll.u32 s6, $0xB;
	s6 =	sshll.u32 s6, $0x5  }
0x10: {  	s11 =	sadd.s32 $0x80, s30;
	s10 =	sadd.s32 $0x100, s30;
	s15 =	sadd.s32 s1, s14  }
0x11: {  	s17 =	sadd.s32 $0xFFFFFFFF, s4;
	s20 =	sadd.s32 $0xFFFFFFFE, s4;
	[dreg:$0xb] =	wrdreg s15  }
0x12: {  	s6 =	sadd.s32 s0, s6;
	s12 =	sshll.u32 s11, $0x4;
	[dreg:$0x5] =	wrdreg s17  }
0x13: {  	s11 =	sshrl.u32 s11, $0x2;
	s13 =	sshll.u32 s10, $0x4;
	[dreg:$0xc] =	wrdreg s6  }
0x14: {  	s10 =	sshrl.u32 s10, $0x2;
	s15 =	sor.u32 $0x70, s16;
	[dreg:$0x6] =	wrdreg s20  }
0x15: {  	s12 =	sadd.s32 s1, s12;
	s11 =	sadd.s32 s0, s11;
	s10 =	sadd.s32 s0, s10  }
0x16: {  	s21 =	smul.u32 $0xA000, s15;
	s0 =	sadd.s32 s8, s0;
	[dreg:$0x7] =	wrdreg s12  }
0x17: {  	p0 =	sgt.u32 s15, $0x7C;
	[dreg:$0x8] =	wrdreg s11;
	s11 =	sadd.s32 s1, s13  }
0x18: {  	[dreg:$0xa] =	wrdreg s10;
	s13 =	sor.u32 $0x10, s16;
	s12 =	sadd.s32 s22, s2  }
0x19: {  	s16 =	sshrl.u32 s28, $0x2;
	s1 =	sadd.s32 s5, s1;
	s5 =	simm.s32 @!p0 $0x0  }
0x1a: {  	s20 =	sadd.s32 $0x80, s0;
	s22 =	sadd.s32 $0x60, s0;
	s14 =	smul.u32 $0xA000, s13  }
0x1b: {  	[dreg:$0x9] =	wrdreg s11;
	s25 =	smul.u32 $0xC800, s13;
	s5 =	simm.s32 @p0 $0x1  }
0x1c: {  	s6 =	sshrl.u32 s21, $0x2;
	s28 =	sadd.s32 $0xA0000, s12;
	[smem:$0x7FC] =	sst s5  }
0x1d: {  	s17 =	smul.u32 $0x32000, s13;
	s29 =	sadd.s32 $0xC8000, s12;
	[dreg:$0x16] =	wrdreg s28  }
0x1e: {  	p0 =	sgt.u32 s13, $0x18;
	s6 =	sadd.s32 s6, s2;
	[dreg:$0x17] =	wrdreg s29  }
0x1f: {  	s24 =	sshrl.u32 s14, $0x2;
	s11 =	sadd.s32 s18, s25;
	[dreg:$0x12] =	wrdreg s6  }
0x20: {  	s18 =	sadd.s32 s16, s2;
	s14 =	sadd.s32 $0xA0, s0;
	s9 =	sadd.s32 s24, s2  }
0x21: {  	s30 =	sshrl.u32 s11, $0x3;
	s11 =	sadd.s32 $0x50000, s12;
	[dreg:$0xe] =	wrdreg s9  }
0x22: {  	s0 =	simm.s32 @!p0 $0x0;
	s25 =	sshrl.u32 s18, $0x3;
	[dreg:$0x11] =	wrdreg s11  }
0x23: {  	s19 =	sadd.s32 $0x2800, s1;
	s0 =	simm.s32 @p0 $0x1;
	[dreg:$0x13] =	wrdreg s25  }
0x24: {  	s9 =	sshrl.u32 s26, $0x3;
	[smem:$0x7FD] =	sst s0;
	s26 =	sadd.s32 $0x78000, s12  }
0x25: {  	s21 =	sadd.s32 $0x2000, s1;
	s9 =	sadd.s32 s7, s9;
	[dreg:$0x15] =	wrdreg s26  }
0x26: {  	s24 =	sshrl.u32 s17, $0x2;
	s7 =	sadd.s32 s7, s30;
	[dreg:$0xf] =	wrdreg s9  }
0x27: {  	s30 =	sadd.s32 $0xF0000, s12;
	[dreg:$0x10] =	wrdreg s7;
	s7 =	sadd.s32 s24, s2  }
0x28: {  	s23 =	sadd.s32 $0x1800, s1;
	[dreg:$0x18] =	wrdreg s30;
	s0 =	sshrl.u32 @!p0 s7, $0x3  }
0x29: {  	v0 =	vimm.f32 $0.0e+00;
	s1 =	simm.s32 $0x0;
	[dreg:$0x14] =	wrdreg s0;
	s0 =	simm.s32 $0xA  }
.LBB2_1:
0x2a: {  	s5 =	rddreg [dreg:$0x7]  }
0x2b: {  	s6 =	simm.s32 $0x4180;
	s24 =	rddreg [dreg:$0x8]  }
0x2c: {  	[tilespmem:s6], [sflag:$0x2] =	stream.linear.gather [hbm4b:s5+s3], $0x4000, $0x38;
	[tilespmem:$0x1FA00] =	vst v63  }
0x2d: {  	s25 =	simm.s32 $0x80;
	s26 =	rddreg [dreg:$0x9]  }
0x2e: {  	[tilespmem:s25], [sflag:$0x5] =	stream.linear.gather [hbm4b:s24+s3], $0x80, $0x38;
	[tilespmem:$0x1FA00] =	vst v63  }
0x2f: {  	s28 =	simm.s32 $0x8180;
	s29 =	rddreg [dreg:$0xa]  }
0x30: {  	[tilespmem:s28], [sflag:$0x3] =	stream.linear.gather [hbm4b:s26+s3], $0x4000, $0x38;
	[tilespmem:$0x1FA00] =	vst v63  }
0x31: {  	s30 =	simm.s32 $0x100;
	s5 =	simm.s32 $0x70;
	s6 =	simm.s32 $0x3C0  }
0x32: {  	[tilespmem:s30], [sflag:$0x6] =	stream.linear.gather [hbm4b:s29+s3], $0x80, $0x38;
	[tilespmem:$0x1FA00] =	vst v63  }
.LBB2_2:
0x33: {  	p0 =	sne.s32 s6, $0x9FC0;
	[tilespmem:s5+$0x180] =	vst v0  }
0x34: {  	[tilespmem:s5+$0x110] =	vst v0  }
0x35: {  	[tilespmem:s5+$0x120] =	vst v0  }
.Ltmp0:
0x36: {  	[tilespmem:s5+$0x130] =	vst v0;
	(pc) =	sbr.rel @p0 .LBB2_2-.Ltmp0, $4  }
0x37: {  	[tilespmem:s5+$0x140] =	vst v0  }
0x38: {  	[tilespmem:s5+$0x150] =	vst v0  }
0x39: {  	[tilespmem:s5+$0x160] =	vst v0  }
0x3a: {  	[tilespmem:s5+$0x170] =	vst v0;
	s5 =	sshra.s32 s6, $0x2;
	s6 =	sadd.s32 $0x200, s6  }
0x3b: {  	[tilespmem:s5+$0x180] =	vst v0  }
0x3c: {  	[tilespmem:s5+$0x110] =	vst v0  }
0x3d: {  	[tilespmem:s5+$0x120] =	vst v0  }
0x3e: {  	[tilespmem:s5+$0x130] =	vst v0  }
0x3f: {  	[tilespmem:s5+$0x140] =	vst v0  }
0x40: {  	[tilespmem:s5+$0x150] =	vst v0  }
0x41: {  	[tilespmem:s5+$0x160] =	vst v0  }
0x42: {  	[tilespmem:s5+$0x170] =	vst v0  }
0x43: {  	[spmem:s12] =	stream.linear.scatter [tilespmem:s31], [sflag:$0xA], $0x2800, $0x38;
	[tilespmem:$0x1FA00] =	vst v63  }
0x44: {  	_ =	swait.ge [sflag:s0], $0x2800  }
0x45: {  	[sflag:s0] =	ssyncset.done $0x0  }
0x46: {  	s15 =	rddreg [dreg:$0xe];
	[sflag:s0] =	ssyncadd.s32 $0xFFFFD800  }
0x47: {  	[spmem:s15] =	stream.linear.scatter [tilespmem:s31], [sflag:$0xA], $0x2800, $0x38;
	[tilespmem:$0x1FA00] =	vst v63  }
0x48: {  	_ =	swait.ge [sflag:s0], $0x2800  }
0x49: {  	[sflag:s0] =	ssyncset.done $0x0  }
0x4a: {  	s16 =	rddreg [dreg:$0x11];
	[sflag:s0] =	ssyncadd.s32 $0xFFFFD800  }
0x4b: {  	[spmem:s16] =	stream.linear.scatter [tilespmem:s31], [sflag:$0xA], $0x2800, $0x38;
	[tilespmem:$0x1FA00] =	vst v63  }
0x4c: {  	_ =	swait.ge [sflag:s0], $0x2800  }
0x4d: {  	[sflag:s0] =	ssyncset.done $0x0  }
0x4e: {  	s17 =	rddreg [dreg:$0x15];
	[sflag:s0] =	ssyncadd.s32 $0xFFFFD800  }
0x4f: {  	[spmem:s17] =	stream.linear.scatter [tilespmem:s31], [sflag:$0xA], $0x2800, $0x38;
	[tilespmem:$0x1FA00] =	vst v63  }
0x50: {  	_ =	swait.ge [sflag:s0], $0x2800  }
0x51: {  	[sflag:s0] =	ssyncset.done $0x0  }
0x52: {  	s18 =	rddreg [dreg:$0x16];
	[sflag:s0] =	ssyncadd.s32 $0xFFFFD800  }
0x53: {  	[spmem:s18] =	stream.linear.scatter [tilespmem:s31], [sflag:$0xA], $0x2800, $0x38;
	[tilespmem:$0x1FA00] =	vst v63  }
0x54: {  	_ =	swait.ge [sflag:s0], $0x2800  }
0x55: {  	[sflag:s0] =	ssyncset.done $0x0  }
0x56: {  	s24 =	rddreg [dreg:$0x17];
	[sflag:s0] =	ssyncadd.s32 $0xFFFFD800  }
0x57: {  	[spmem:s24] =	stream.linear.scatter [tilespmem:s31], [sflag:$0xA], $0x2800, $0x38;
	[tilespmem:$0x1FA00] =	vst v63  }
0x58: {  	_ =	swait.ge [sflag:s0], $0x2800  }
0x59: {  	[sflag:s0] =	ssyncset.done $0x0  }
0x5a: {  	s25 =	rddreg [dreg:$0x18];
	[sflag:s0] =	ssyncadd.s32 $0xFFFFD800  }
0x5b: {  	[spmem:s25] =	stream.linear.scatter [tilespmem:s31], [sflag:$0xA], $0x2800, $0x38;
	[tilespmem:$0x1FA00] =	vst v63  }
0x5c: {  	_ =	swait.ge [sflag:s0], $0x2800  }
0x5d: {  	s26 =	sld [smem:$0x7FC];
	_ =	sdelay $0x2  }
0x5e: {  	[sflag:s0] =	ssyncset.done $0x0;
	p0 =	seq.s32 s26, $0x1  }
0x5f: {  	s6 =	rddreg [dreg:$0x12];
	[sflag:s0] =	ssyncadd.s32 $0xFFFFD800;
	s5 =	simm.s32 @!p0 $0x180  }
0x60: {  	[spmem:s6] =	stream.linear.scatter @!p0 [tilespmem:s5], [sflag:$0xA], $0x2800, $0x38;
	[tilespmem:$0x1FA00] =	vst v63  }
0x61: {  	s5 =	simm.s32 @!p0 $0xA  }
0x62: {  	_ =	swait.ge @!p0 [sflag:s5], $0x2800  }
0x63: {  	[sflag:s5] =	ssyncset.done @!p0 $0x0  }
0x64: {  	s28 =	rddreg [dreg:$0xb];
	[sflag:s5] =	ssyncadd.s32 @!p0 $0xFFFFD800  }
0x65: {  	[tilespmem:s31], [sflag:$0x1] =	stream.linear.gather [hbm4b:s28+s3], $0x4000, $0x38;
	[tilespmem:$0x1FA00] =	vst v63  }
0x66: {  	s29 =	rddreg [dreg:$0xc];
	p0 =	sle.u32 s4, $0x0  }
0x67: {  	[tilespmem:s3], [sflag:$0x4] =	stream.linear.gather [hbm4b:s29+s3], $0x80, $0x38;
	[tilespmem:$0x1FA00] =	vst v63  }
0x68: {  	s5 =	simm.s32 @!p0 $0x1;
	[bflag:$0x0] =	sbarrier.arrive $0xFFFF  }
0x69: {  	_ =	swait.ge @!p0 [sflag:s5], $0x4000  }
0x6a: {  	[sflag:s5] =	ssyncset.done @!p0 $0x0  }
0x6b: {  	[sflag:s5] =	ssyncadd.s32 @!p0 $0xFFFFC000;
	s5 =	simm.s32 @!p0 $0x4  }
0x6c: {  	s6 =	simm.s32 @!p0 $0x180;
	_ =	swait.ge @!p0 [sflag:s5], $0x80  }
0x6d: {  	s8 =	simm.s32 @!p0 $0x0;
	[sflag:s5] =	ssyncset.done @!p0 $0x0;
	s7 =	rddreg [dreg:$0x5]  }
0x6e: {  	[sflag:s5] =	ssyncadd.s32 @!p0 $0xFFFFFF80;
	s5 =	simm.s32 @!p0 $0x80;
	p2 =	sle.u32 s7, $0x0  }
0x6f: {  	[spmem:s2] =	stream.indirect.scatter.add.f32 @!p0 [tilespmem:s6], [sflag:$0x7], $0x80, s8, s5, $0xb8;
	[tilespmem:$0x1FA00] =	vst v63  }
0x70: {  	s5 =	simm.s32 @!p2 $0x2  }
0x71: {  	_ =	swait.ge @!p2 [sflag:s5], $0x4000  }
0x72: {  	[sflag:s5] =	ssyncset.done @!p2 $0x0  }
0x73: {  	[sflag:s5] =	ssyncadd.s32 @!p2 $0xFFFFC000;
	s5 =	simm.s32 @!p2 $0x5  }
0x74: {  	_ =	swait.ge @!p2 [sflag:s5], $0x80  }
0x75: {  	s7 =	simm.s32 @!p2 $0x4180;
	[sflag:s5] =	ssyncset.done @!p2 $0x0;
	s30 =	rddreg [dreg:$0x6]  }
0x76: {  	[sflag:s5] =	ssyncadd.s32 @!p2 $0xFFFFFF80;
	s5 =	simm.s32 @!p2 $0x80;
	p1 =	sle.u32 s30, $0x0  }
0x77: {  	[spmem:s2] =	stream.indirect.scatter.add.f32 @!p2 [tilespmem:s7], [sflag:$0x8], $0x80, s5, s5, $0xb8;
	[tilespmem:$0x1FA00] =	vst v63  }
0x78: {  	s5 =	simm.s32 @!p1 $0x3  }
0x79: {  	_ =	swait.ge @!p1 [sflag:s5], $0x4000  }
0x7a: {  	[sflag:s5] =	ssyncset.done @!p1 $0x0  }
0x7b: {  	[sflag:s5] =	ssyncadd.s32 @!p1 $0xFFFFC000;
	s5 =	simm.s32 @!p1 $0x6  }
0x7c: {  	_ =	swait.ge @!p1 [sflag:s5], $0x80  }
0x7d: {  	s6 =	simm.s32 @!p1 $0x8180;
	s7 =	simm.s32 @!p0 $0x7;
	[sflag:s5] =	ssyncset.done @!p1 $0x0  }
0x7e: {  	s8 =	simm.s32 @!p1 $0x100;
	[sflag:s5] =	ssyncadd.s32 @!p1 $0xFFFFFF80;
	s5 =	simm.s32 @!p1 $0x80  }
0x7f: {  	[spmem:s2] =	stream.indirect.scatter.add.f32 @!p1 [tilespmem:s6], [sflag:$0x9], $0x80, s8, s5, $0xb8;
	[tilespmem:$0x1FA00] =	vst v63  }
0x80: {  	p3 =	sle.u32 @!p0 s4, $0x3;
	_ =	swait.ge @!p0 [sflag:s7], $0x4000  }
0x81: {  	p3 =	por p3, p0;
	[sflag:s7] =	ssyncset.done @!p0 $0x0  }
0x82: {  	s5 =	simm.s32 @!p3 $0x0;
	s6 =	simm.s32 @!p3 $0x180;
	[sflag:s7] =	ssyncadd.s32 @!p0 $0xFFFFC000  }
0x83: {  	[tilespmem:s6], [sflag:$0x1] =	stream.linear.gather @!p3 [hbm4b:s23+s5], $0x4000, $0x38;
	[tilespmem:$0x1FA00] =	vst v63  }
0x84: {  	s13 =	simm.s32 $0xB;
	s10 =	sadd.s32 $0x60, s22;
	s6 =	simm.s32 @!p2 $0x8  }
0x85: {  	[tilespmem:s5], [sflag:$0x4] =	stream.linear.gather @!p3 [hbm4b:s22+s5], $0x80, $0x38;
	[tilespmem:$0x1FA00] =	vst v63  }
0x86: {  	s11 =	sadd.s32 $0x1800, s23;
	p0 =	sle.u32 @!p2 s4, $0x4;
	_ =	swait.ge @!p2 [sflag:s6], $0x4000  }
0x87: {  	s9 =	sadd.s32 $0x1800, s21;
	p0 =	por p0, p2;
	[sflag:s6] =	ssyncset.done @!p2 $0x0  }
0x88: {  	s5 =	simm.s32 @!p0 $0x4180;
	[sflag:s6] =	ssyncadd.s32 @!p2 $0xFFFFC000;
	s6 =	simm.s32 @!p0 $0x0  }
0x89: {  	[tilespmem:s5], [sflag:$0x2] =	stream.linear.gather @!p0 [hbm4b:s21+s6], $0x4000, $0x38;
	[tilespmem:$0x1FA00] =	vst v63  }
0x8a: {  	s18 =	smov.u32 s14;
	s8 =	simm.s32 @!p1 $0x9;
	s7 =	simm.s32 @!p0 $0x80  }
0x8b: {  	[tilespmem:s7], [sflag:$0x5] =	stream.linear.gather @!p0 [hbm4b:s20+s6], $0x80, $0x38;
	[tilespmem:$0x1FA00] =	vst v63  }
0x8c: {  	s24 =	simm.s32 $0x3;
	p0 =	sle.u32 @!p1 s4, $0x5;
	_ =	swait.ge @!p1 [sflag:s8], $0x4000  }
0x8d: {  	s5 =	simm.s32 $0x8;
	p4 =	por p0, p1;
	[sflag:s8] =	ssyncset.done @!p1 $0x0  }
0x8e: {  	s25 =	simm.s32 @!p4 $0x0;
	s6 =	simm.s32 @!p4 $0x8180;
	[sflag:s8] =	ssyncadd.s32 @!p1 $0xFFFFC000  }
0x8f: {  	[tilespmem:s6], [sflag:$0x3] =	stream.linear.gather @!p4 [hbm4b:s19+s25], $0x4000, $0x38;
	[tilespmem:$0x1FA00] =	vst v63  }
0x90: {  	s7 =	sadd.s32 $0x1800, s19;
	s8 =	sadd.s32 $0x60, s20;
	s6 =	sadd.s32 $0x60, s14  }
.LBB2_4:
0x91: {  	p3 =	sge.u32 s24, s4  }
0x92: {  	s15 =	simm.s32 @!p4 $0x100;
	s28 =	simm.s32 @!p3 $0x1  }
0x93: {  	[tilespmem:s15], [sflag:$0x6] =	stream.linear.gather @!p4 [hbm4b:s18+s25], $0x80, $0x38;
	[tilespmem:$0x1FA00] =	vst v63  }
0x94: {  	_ =	swait.ge @!p3 [sflag:s28], $0x4000  }
0x95: {  	[sflag:s28] =	ssyncset.done @!p3 $0x0  }
0x96: {  	s29 =	sadd.s32 @!p3 $0xFFFFFFFE, s5;
	s25 =	simm.s32 @!p3 $0x4;
	[sflag:s28] =	ssyncadd.s32 @!p3 $0xFFFFC000  }
0x97: {  	s30 =	simm.s32 @!p3 $0x0;
	p4 =	sge.u32 @!p3 s29, s4;
	_ =	swait.ge @!p3 [sflag:s25], $0x80  }
0x98: {  	s28 =	simm.s32 @!p3 $0x180;
	[sflag:s25] =	ssyncset.done @!p3 $0x0;
	s29 =	rddreg [dreg:$0x5]  }
0x99: {  	[sflag:s25] =	ssyncadd.s32 @!p3 $0xFFFFFF80;
	s25 =	simm.s32 @!p3 $0x80;
	p5 =	sge.u32 s24, s29  }
0x9a: {  	[spmem:s2] =	stream.indirect.scatter.add.f32 @!p3 [tilespmem:s28], [sflag:$0x7], $0x80, s30, s25, $0xb8;
	[tilespmem:$0x1FA00] =	vst v63  }
0x9b: {  	s25 =	simm.s32 @!p5 $0x2  }
0x9c: {  	_ =	swait.ge @!p5 [sflag:s25], $0x4000  }
0x9d: {  	[sflag:s25] =	ssyncset.done @!p5 $0x0  }
0x9e: {  	[sflag:s25] =	ssyncadd.s32 @!p5 $0xFFFFC000;
	s25 =	simm.s32 @!p5 $0x5  }
0x9f: {  	_ =	swait.ge @!p5 [sflag:s25], $0x80  }
0xa0: {  	s29 =	simm.s32 @!p5 $0x4180;
	[sflag:s25] =	ssyncset.done @!p5 $0x0;
	s30 =	rddreg [dreg:$0x6]  }
0xa1: {  	[sflag:s25] =	ssyncadd.s32 @!p5 $0xFFFFFF80;
	s25 =	simm.s32 @!p5 $0x80;
	p6 =	sge.u32 s24, s30  }
0xa2: {  	[spmem:s2] =	stream.indirect.scatter.add.f32 @!p5 [tilespmem:s29], [sflag:$0x8], $0x80, s25, s25, $0xb8;
	[tilespmem:$0x1FA00] =	vst v63  }
0xa3: {  	s24 =	simm.s32 @!p6 $0x3  }
0xa4: {  	_ =	swait.ge @!p6 [sflag:s24], $0x4000  }
0xa5: {  	s26 =	smov.u32 s13;
	s28 =	sadd.s32 @!p5 $0xFFFFFFFF, s5;
	[sflag:s24] =	ssyncset.done @!p6 $0x0  }
0xa6: {  	p1 =	sge.u32 @!p5 s28, s4;
	[sflag:s24] =	ssyncadd.s32 @!p6 $0xFFFFC000;
	s24 =	simm.s32 @!p6 $0x6  }
0xa7: {  	p0 =	sge.u32 @!p6 s5, s4;
	s5 =	smov.u32 s26;
	_ =	swait.ge @!p6 [sflag:s24], $0x80  }
0xa8: {  	s25 =	simm.s32 @!p6 $0x8180;
	s26 =	simm.s32 @!p3 $0x7;
	[sflag:s24] =	ssyncset.done @!p6 $0x0  }
0xa9: {  	s28 =	simm.s32 @!p6 $0x100;
	[sflag:s24] =	ssyncadd.s32 @!p6 $0xFFFFFF80;
	s24 =	simm.s32 @!p6 $0x80  }
0xaa: {  	[spmem:s2] =	stream.indirect.scatter.add.f32 @!p6 [tilespmem:s25], [sflag:$0x9], $0x80, s28, s24, $0xb8;
	[tilespmem:$0x1FA00] =	vst v63  }
0xab: {  	s13 =	sadd.s32 $0x3, s13;
	_ =	swait.ge @!p3 [sflag:s26], $0x4000  }
0xac: {  	s17 =	smov.u32 s9;
	p4 =	por p4, p3;
	[sflag:s26] =	ssyncset.done @!p3 $0x0  }
0xad: {  	s24 =	simm.s32 @!p4 $0x0;
	s25 =	simm.s32 @!p4 $0x180;
	[sflag:s26] =	ssyncadd.s32 @!p3 $0xFFFFC000  }
0xae: {  	[tilespmem:s25], [sflag:$0x1] =	stream.linear.gather @!p4 [hbm4b:s11+s24], $0x4000, $0x38;
	[tilespmem:$0x1FA00] =	vst v63  }
0xaf: {  	s16 =	smov.u32 s8;
	s9 =	sadd.s32 $0x1800, s9;
	s25 =	simm.s32 @!p5 $0x8  }
0xb0: {  	[tilespmem:s24], [sflag:$0x4] =	stream.linear.gather @!p4 [hbm4b:s10+s24], $0x80, $0x38;
	[tilespmem:$0x1FA00] =	vst v63  }
0xb1: {  	s8 =	sadd.s32 $0x60, s8;
	p2 =	sne.s32 s13, $0x56;
	_ =	swait.ge @!p5 [sflag:s25], $0x4000  }
0xb2: {  	s18 =	smov.u32 s6;
	p1 =	por p1, p5;
	[sflag:s25] =	ssyncset.done @!p5 $0x0  }
0xb3: {  	s24 =	simm.s32 @!p1 $0x0;
	[sflag:s25] =	ssyncadd.s32 @!p5 $0xFFFFC000;
	s25 =	simm.s32 @!p1 $0x4180  }
0xb4: {  	[tilespmem:s25], [sflag:$0x2] =	stream.linear.gather @!p1 [hbm4b:s17+s24], $0x4000, $0x38;
	[tilespmem:$0x1FA00] =	vst v63  }
0xb5: {  	s15 =	smov.u32 s7;
	s6 =	sadd.s32 $0x60, s6;
	s17 =	simm.s32 @!p1 $0x80  }
0xb6: {  	[tilespmem:s17], [sflag:$0x5] =	stream.linear.gather @!p1 [hbm4b:s16+s24], $0x80, $0x38;
	[tilespmem:$0x1FA00] =	vst v63  }
.Ltmp1:
0xb7: {  	s7 =	sadd.s32 $0x1800, s7;
	s25 =	simm.s32 @!p6 $0x9;
	(pc) =	sbr.rel @p2 .LBB2_4-.Ltmp1, $4  }
0xb8: {  	s11 =	sadd.s32 $0x1800, s11;
	s10 =	sadd.s32 $0x60, s10;
	_ =	swait.ge @!p6 [sflag:s25], $0x4000  }
0xb9: {  	p4 =	por p0, p6;
	s24 =	sadd.s32 $0xFFFFFFFB, s5;
	[sflag:s25] =	ssyncset.done @!p6 $0x0  }
0xba: {  	s16 =	simm.s32 @!p4 $0x8180;
	[sflag:s25] =	ssyncadd.s32 @!p6 $0xFFFFC000;
	s25 =	simm.s32 @!p4 $0x0  }
0xbb: {  	[tilespmem:s16], [sflag:$0x3] =	stream.linear.gather @!p4 [hbm4b:s15+s25], $0x4000, $0x38;
	[tilespmem:$0x1FA00] =	vst v63  }
0xbc: {  	p0 =	sge.u32 s24, s4  }
0xbd: {  	s13 =	simm.s32 @!p4 $0x100;
	s15 =	simm.s32 @!p0 $0x1  }
0xbe: {  	[tilespmem:s13], [sflag:$0x6] =	stream.linear.gather @!p4 [hbm4b:s18+s25], $0x80, $0x38;
	[tilespmem:$0x1FA00] =	vst v63  }
0xbf: {  	_ =	swait.ge @!p0 [sflag:s15], $0x4000  }
0xc0: {  	[sflag:s15] =	ssyncset.done @!p0 $0x0  }
0xc1: {  	s13 =	simm.s32 @!p0 $0x4;
	[sflag:s15] =	ssyncadd.s32 @!p0 $0xFFFFC000  }
0xc2: {  	s17 =	simm.s32 @!p0 $0x0;
	_ =	swait.ge @!p0 [sflag:s13], $0x80  }
0xc3: {  	s15 =	simm.s32 @!p0 $0x180;
	[sflag:s13] =	ssyncset.done @!p0 $0x0;
	s16 =	rddreg [dreg:$0x5]  }
0xc4: {  	[sflag:s13] =	ssyncadd.s32 @!p0 $0xFFFFFF80;
	s13 =	simm.s32 @!p0 $0x80;
	p1 =	sge.u32 s24, s16  }
0xc5: {  	[spmem:s2] =	stream.indirect.scatter.add.f32 @!p0 [tilespmem:s15], [sflag:$0x7], $0x80, s17, s13, $0xb8;
	[tilespmem:$0x1FA00] =	vst v63  }
0xc6: {  	s13 =	simm.s32 @!p1 $0x2  }
0xc7: {  	_ =	swait.ge @!p1 [sflag:s13], $0x4000  }
0xc8: {  	[sflag:s13] =	ssyncset.done @!p1 $0x0  }
0xc9: {  	[sflag:s13] =	ssyncadd.s32 @!p1 $0xFFFFC000;
	s13 =	simm.s32 @!p1 $0x5  }
0xca: {  	_ =	swait.ge @!p1 [sflag:s13], $0x80  }
0xcb: {  	s16 =	simm.s32 @!p1 $0x4180;
	[sflag:s13] =	ssyncset.done @!p1 $0x0;
	s18 =	rddreg [dreg:$0x6]  }
0xcc: {  	[sflag:s13] =	ssyncadd.s32 @!p1 $0xFFFFFF80;
	s13 =	simm.s32 @!p1 $0x80;
	p2 =	sge.u32 s24, s18  }
0xcd: {  	[spmem:s2] =	stream.indirect.scatter.add.f32 @!p1 [tilespmem:s16], [sflag:$0x8], $0x80, s13, s13, $0xb8;
	[tilespmem:$0x1FA00] =	vst v63  }
0xce: {  	s13 =	simm.s32 @!p2 $0x3  }
0xcf: {  	_ =	swait.ge @!p2 [sflag:s13], $0x4000  }
0xd0: {  	[sflag:s13] =	ssyncset.done @!p2 $0x0  }
0xd1: {  	[sflag:s13] =	ssyncadd.s32 @!p2 $0xFFFFC000;
	s13 =	simm.s32 @!p2 $0x6  }
0xd2: {  	s15 =	sadd.s32 @!p0 $0xFFFFFFFE, s5;
	_ =	swait.ge @!p2 [sflag:s13], $0x80  }
0xd3: {  	s17 =	simm.s32 @!p0 $0x7;
	s16 =	simm.s32 @!p2 $0x8180;
	[sflag:s13] =	ssyncset.done @!p2 $0x0  }
0xd4: {  	s18 =	simm.s32 @!p2 $0x100;
	[sflag:s13] =	ssyncadd.s32 @!p2 $0xFFFFFF80;
	s13 =	simm.s32 @!p2 $0x80  }
0xd5: {  	[spmem:s2] =	stream.indirect.scatter.add.f32 @!p2 [tilespmem:s16], [sflag:$0x9], $0x80, s18, s13, $0xb8;
	[tilespmem:$0x1FA00] =	vst v63  }
0xd6: {  	p3 =	sge.u32 @!p0 s15, s4;
	_ =	swait.ge @!p0 [sflag:s17], $0x4000  }
0xd7: {  	p3 =	por p3, p0;
	[sflag:s17] =	ssyncset.done @!p0 $0x0  }
0xd8: {  	s15 =	simm.s32 @!p3 $0x180;
	s13 =	simm.s32 @!p3 $0x0;
	[sflag:s17] =	ssyncadd.s32 @!p0 $0xFFFFC000  }
0xd9: {  	[tilespmem:s15], [sflag:$0x1] =	stream.linear.gather @!p3 [hbm4b:s11+s13], $0x4000, $0x38;
	[tilespmem:$0x1FA00] =	vst v63  }
0xda: {  	s11 =	sadd.s32 @!p1 $0xFFFFFFFF, s5;
	s15 =	simm.s32 @!p1 $0x8  }
0xdb: {  	[tilespmem:s13], [sflag:$0x4] =	stream.linear.gather @!p3 [hbm4b:s10+s13], $0x80, $0x38;
	[tilespmem:$0x1FA00] =	vst v63  }
0xdc: {  	p0 =	sge.u32 @!p1 s11, s4;
	_ =	swait.ge @!p1 [sflag:s15], $0x4000  }
0xdd: {  	p0 =	por p0, p1;
	[sflag:s15] =	ssyncset.done @!p1 $0x0  }
0xde: {  	s10 =	simm.s32 @!p0 $0x0;
	s11 =	simm.s32 @!p0 $0x4180;
	[sflag:s15] =	ssyncadd.s32 @!p1 $0xFFFFC000  }
0xdf: {  	[tilespmem:s11], [sflag:$0x2] =	stream.linear.gather @!p0 [hbm4b:s9+s10], $0x4000, $0x38;
	[tilespmem:$0x1FA00] =	vst v63  }
0xe0: {  	s9 =	simm.s32 @!p0 $0x80;
	s11 =	simm.s32 @!p2 $0x9  }
0xe1: {  	[tilespmem:s9], [sflag:$0x5] =	stream.linear.gather @!p0 [hbm4b:s8+s10], $0x80, $0x38;
	[tilespmem:$0x1FA00] =	vst v63  }
0xe2: {  	p0 =	sge.u32 @!p2 s5, s4;
	_ =	swait.ge @!p2 [sflag:s11], $0x4000  }
0xe3: {  	p0 =	por p0, p2;
	[sflag:s11] =	ssyncset.done @!p2 $0x0  }
0xe4: {  	s5 =	simm.s32 @!p0 $0x0;
	s8 =	simm.s32 @!p0 $0x8180;
	[sflag:s11] =	ssyncadd.s32 @!p2 $0xFFFFC000  }
0xe5: {  	[tilespmem:s8], [sflag:$0x3] =	stream.linear.gather @!p0 [hbm4b:s7+s5], $0x4000, $0x38;
	[tilespmem:$0x1FA00] =	vst v63  }
0xe6: {  	s7 =	simm.s32 @!p0 $0x100  }
0xe7: {  	[tilespmem:s7], [sflag:$0x6] =	stream.linear.gather @!p0 [hbm4b:s6+s5], $0x80, $0x38;
	[tilespmem:$0x1FA00] =	vst v63  }
0xe8: {  	s25 =	stileid.u32;
	[bflag:$0x0] =	sbarrier.arrive $0xFFFF  }
0xe9: {  	s5 =	sshll.u32 s25, $0x6;
	s26 =	rddreg [dreg:$0xf]  }
0xea: {  	s5 =	sor.u32 $0x1C0A, s5;
	s28 =	rddreg [dreg:$0x13]  }
0xeb: {  	[hbm:s26], [sflag:s5] =	dma.local [spmem:s28], $0x1900  }
0xec: {  	_ =	swait.ge [sflag:s0], $0x1900  }
0xed: {  	s29 =	sld [smem:$0x7FD];
	_ =	sdelay $0x1  }
0xee: {  	[sflag:s0] =	ssyncset.done $0x0;
	s6 =	rddreg [dreg:$0x10]  }
0xef: {  	s7 =	rddreg [dreg:$0x14];
	[sflag:s0] =	ssyncadd.s32 $0xFFFFE700;
	p1 =	seq.s32 s29, $0x1  }
0xf0: {  	[hbm:s6], [sflag:s5] =	dma.local @!p1 [spmem:s7], $0x1900  }
0xf1: {  	s5 =	simm.s32 @!p1 $0xA  }
0xf2: {  	_ =	swait.ge @!p1 [sflag:s5], $0x1900  }
0xf3: {  	s1 =	sadd.s32 $0x1, s1;
	s30 =	rddreg [dreg:$0xd]  }
0xf4: {  	p0 =	sne.s32 s1, s30  }
.Ltmp2:
0xf5: {  	_ = 	snop;
	(pc) =	sbr.rel @p0 .LBB2_1-.Ltmp2, $3  }
0xf6: {  	_ =	sdelay $0x1  }
0xf7: {  	[sflag:s5] =	ssyncset.done @!p1 $0x0  }
0xf8: {  	[sflag:s5] =	ssyncadd.s32 @!p1 $0xFFFFE700  }
0xf9: {  	_ =	sfence.sel $0x180000  }
0xfa: {  	[bflag:$0x0] =	sbarrier.arrive $0xFFFF  }
0xfb: {  	_ =	strace $0x90000047  }
0xfc: {  	s0 =	stileid.u32;
	[bflag:$0x2] =	sbarrier.arrive $0xFFFF  }
0xfd: {  	p0 =	sne.s32 s0, $0x0;
	s0 =	rddreg [dreg:$0x4]  }
0xfe: {  	s0 =	sadd.s32 @!p0 $0x100000, s0  }
0xff: {  	[sflag:s0] =	ssyncadd.tile.s32 @!p0 $0x1;
	_ =	shalt  }
.Lfunc_end2:
_tile_overlayer_lowered:
.L_overlay_start_2:
0x100: {  	(tag) =	ssettag $0x2  }
0x101: {  	s0 =	rddreg [dreg:$0x0];
	s2 =	stileid.u32  }
0x102: {  	s1 =	rddreg [dreg:$0x1];
	p0 =	sne.s32 s2, $0x0  }
0x103: {  	s3 =	rddreg [dreg:$0x2];
	[bflag:$0x3] =	sbarrier.arrive $0xFFFF;
	s2 =	simm.s32 @!p0 $0x1C0A  }
0x104: {  	[timem:s3], [sflag:s2] =	dma.local @!p0 [hbm:s0], s1  }
0x105: {  	s0 =	simm.s32 @!p0 $0xA  }
0x106: {  	_ =	swait.ge @!p0 [sflag:s0], s1  }
0x107: {  	s1 =	ssub.s32 @!p0 $0x0, s1;
	[sflag:s0] =	ssyncset.done @!p0 $0x0  }
0x108: {  	[sflag:s0] =	ssyncadd.s32 @!p0 s1  }
0x109: {  	[bflag:$0x3] =	sbarrier.arrive $0xFFFF  }
0x10a: {  	_ =	shalt  }

</sc_bundles>
